<compile_context>
chip_gen: v7x
topology: tpu7x:2x2x1
jax: 0.10.2.dev20260603
libtpu: 0.0.44.dev20260713+nightly
codegen_flags: <defaults>
</compile_context>

<pallas_src>
import functools

import jax
import jax.numpy as jnp
from jax import lax
from jax.experimental import pallas as pl
from jax.experimental.pallas import tpu as pltpu
from jax.experimental.pallas import tpu_sc as plsc

_B, _N, _D, _E = 32, 128, 1024, 65536
_BN = _B * _N
_Q = _D // 4
_NS = 16
_NC = 2
_CH = 32
_EPT = _E // (_NS * _CH)
_RPT = _BN // _NS


def _sc_body(xvr, srcr, dstr, zr, zdr,
             o0r, o1r, o2r, o3r, degpr,
             src_v, dst_v, idx_a, idx_b, r0, r1, r2, r3, deg_v, shared,
             g0, g1, g2, g3, s0, s1, s2, s3):
    c = lax.axis_index("c")
    s = lax.axis_index("s")
    wid = s * _NC + c
    pltpu.sync_copy(srcr.at[pl.ds(s * _EPT, _EPT)], src_v)
    pltpu.sync_copy(dstr.at[pl.ds(s * _EPT, _EPT)], dst_v)
    pltpu.sync_copy(zdr, deg_v)

    def ibody(i, carry):
        r = i >> 1
        k = (i & 1) * 16
        v = src_v[r, pl.ds(k, 16)] * 4 + c
        idx_a[r, pl.ds(k, 16)] = v
        idx_b[r, pl.ds(k, 16)] = v + 2
        return carry

    lax.fori_loop(0, _EPT * (_CH // 16), ibody, 0)

    ones16 = jnp.ones((16,), jnp.float32)

    def dbody(i, carry):
        d16 = dst_v[i >> 1, pl.ds((i & 1) * 16, 16)]
        plsc.addupdate_scatter(
            deg_v,
            [lax.shift_right_logical(d16, 7), lax.bitwise_and(d16, 127)],
            ones16)
        return carry

    lax.fori_loop(0, _EPT * (_CH // 16), dbody, 0)

    outs = [o0r, o1r, o2r, o3r]
    for p, idx in ((0, idx_a), (1, idx_b)):
        pltpu.sync_copy(zr.at[pl.ds(s * _RPT, _RPT)],
                        shared.at[pl.ds(s * _RPT, _RPT)])
        plsc.subcore_barrier()

        bufs = (r0, r1, r2, r3)
        gsems = (g0, g1, g2, g3)
        ssems = (s0, s1, s2, s3)
        for b in range(4):
            pltpu.async_copy(xvr.at[idx.at[b]], bufs[b], gsems[b])

        def cbody(i, carry, idx=idx):
            j0 = i * 4
            for b in range(4):
                j = j0 + b
                pltpu.make_async_copy(
                    xvr.at[idx.at[j]], bufs[b], gsems[b]).wait()
                pltpu.async_copy(bufs[b], shared.at[dst_v.at[j]], ssems[b],
                                 add=True)

                @pl.when(j + 4 < _EPT)
                def _():
                    pltpu.make_async_copy(
                        bufs[b], shared.at[dst_v.at[j]], ssems[b]).wait()
                    pltpu.async_copy(xvr.at[idx.at[j + 4]], bufs[b], gsems[b])
            return carry

        lax.fori_loop(0, _EPT // 4, cbody, 0)
        for b in range(4):
            pltpu.make_async_copy(
                bufs[b], shared.at[dst_v.at[_EPT - 4 + b]], ssems[b]).wait()
        plsc.subcore_barrier()

        def _mk_out(o):
            def go():
                pltpu.sync_copy(shared.at[pl.ds(s * _RPT, _RPT)],
                                o.at[pl.ds(s * _RPT, _RPT)])
            return go

        pl.when(c == 0)(_mk_out(outs[2 * p]))
        pl.when(c == 1)(_mk_out(outs[2 * p + 1]))
        plsc.subcore_barrier()

    pltpu.sync_copy(deg_v, degpr.at[wid])


def _sc_aggregate(xv, src2, dst2, zrows, zdeg):
    f32 = jnp.float32
    out_type = [jax.ShapeDtypeStruct((_BN, _Q), f32) for _ in range(4)]
    out_type.append(jax.ShapeDtypeStruct((_NC * _NS, _BN // 128, 128), f32))
    kern = pl.kernel(
        _sc_body,
        out_type=out_type,
        mesh=plsc.VectorSubcoreMesh(core_axis_name="c", subcore_axis_name="s"),
        compiler_params=pltpu.CompilerParams(needs_layout_passes=False,
                                              use_tc_tiling_on_sc=False),
        scratch_types=[
            pltpu.VMEM((_EPT, _CH), jnp.int32),
            pltpu.VMEM((_EPT, _CH), jnp.int32),
            pltpu.VMEM((_EPT, _CH), jnp.int32),
            pltpu.VMEM((_EPT, _CH), jnp.int32),
            pltpu.VMEM((_CH, _Q), f32),
            pltpu.VMEM((_CH, _Q), f32),
            pltpu.VMEM((_CH, _Q), f32),
            pltpu.VMEM((_CH, _Q), f32),
            pltpu.VMEM((_BN // 128, 128), f32),
            pltpu.VMEM_SHARED((_BN, _Q), f32),
            pltpu.SemaphoreType.DMA,
            pltpu.SemaphoreType.DMA,
            pltpu.SemaphoreType.DMA,
            pltpu.SemaphoreType.DMA,
            pltpu.SemaphoreType.DMA,
            pltpu.SemaphoreType.DMA,
            pltpu.SemaphoreType.DMA,
            pltpu.SemaphoreType.DMA,
        ],
    )
    return kern(xv, src2, dst2, zrows, zdeg)


def _softmax_mix_log(logits, valid, exp_temp, rand_coef):
    neg = jnp.float32(-1e9)
    masked = jnp.where(valid > 0, logits / exp_temp, neg)
    m = jnp.max(masked, axis=-1, keepdims=True)
    e = jnp.exp(masked - m)
    p = e / jnp.sum(e, axis=-1, keepdims=True)
    uni = valid / jnp.clip(jnp.sum(valid, axis=-1, keepdims=True), 1.0, None)
    probs = (1.0 - rand_coef) * p + rand_coef * uni
    return jnp.log(probs + 1e-20)


def _tc_main_body(xr, a0r, a1r, a2r, a3r, dgr, mr, wgr, bgr, w1dr, b1dr,
                  w2dr, w1br, b1br, w2br, sclr, hr, lpdr, lbwr):
    exp_temp = sclr[0, 0]
    rand_coef = sclr[0, 1]
    b_dep2 = sclr[0, 2]
    b_bw2 = sclr[0, 3]
    b16 = lambda a: a.astype(jnp.bfloat16)
    f = jnp.float32
    deg = jnp.clip(0.5 * jnp.sum(dgr[...], axis=0), 1.0, None)
    a = jnp.concatenate([a0r[...], a1r[...], a2r[...], a3r[...]], axis=1)
    x = xr[...] + a / deg[:, None]
    h = jnp.maximum(jnp.dot(b16(x), b16(wgr[...]), preferred_element_type=f)
                    + bgr[...], 0.0)
    hr[...] = h
    hd = jnp.maximum(jnp.dot(b16(h), b16(w1dr[...]), preferred_element_type=f)
                     + b1dr[...], 0.0)
    ld = jnp.sum(b16(hd).astype(f) * b16(w2dr[...]).astype(f),
                 axis=1).reshape(4, _N) + b_dep2
    hb = jnp.maximum(jnp.dot(b16(h), b16(w1br[...]), preferred_element_type=f)
                     + b1br[...], 0.0)
    lb = jnp.sum(b16(hb).astype(f) * b16(w2br[...]).astype(f),
                 axis=1).reshape(4, _N) + b_bw2
    dep_mask = jnp.max(mr[...], axis=1)
    lpdr[...] = _softmax_mix_log(ld, dep_mask, exp_temp, rand_coef)[None]
    col = lax.broadcasted_iota(jnp.int32, (4, _N), 1)
    bmask = (dep_mask <= 0.0) & (col > 0)
    lbwr[...] = jnp.where(bmask, lb, jnp.float32(-1e9))[None]


def _tc_main(x, a0, a1, a2, a3, degp, mask_f, W_gcn, b_gcn, W_dep1, b_dep1,
             w_dep2, W_bw1, b_bw1, w_bw2, scal):
    f32 = jnp.float32
    grid = _BN // 512
    return pl.pallas_call(
        _tc_main_body,
        grid=(grid,),
        in_specs=[
            pl.BlockSpec((512, _D), lambda i: (i, 0)),
            pl.BlockSpec((512, _Q), lambda i: (i, 0)),
            pl.BlockSpec((512, _Q), lambda i: (i, 0)),
            pl.BlockSpec((512, _Q), lambda i: (i, 0)),
            pl.BlockSpec((512, _Q), lambda i: (i, 0)),
            pl.BlockSpec((_NC * _NS, 512), lambda i: (0, i)),
            pl.BlockSpec((4, _N, _N), lambda i: (i, 0, 0)),
            pl.BlockSpec((_D, _D), lambda i: (0, 0)),
            pl.BlockSpec((1, _D), lambda i: (0, 0)),
            pl.BlockSpec((_D, 512), lambda i: (0, 0)),
            pl.BlockSpec((1, 512), lambda i: (0, 0)),
            pl.BlockSpec((1, 512), lambda i: (0, 0)),
            pl.BlockSpec((_D, 512), lambda i: (0, 0)),
            pl.BlockSpec((1, 512), lambda i: (0, 0)),
            pl.BlockSpec((1, 512), lambda i: (0, 0)),
            pl.BlockSpec(memory_space=pltpu.SMEM),
        ],
        out_specs=[
            pl.BlockSpec((512, _D), lambda i: (i, 0)),
            pl.BlockSpec((1, 4, _N), lambda i: (i, 0, 0)),
            pl.BlockSpec((1, 4, _N), lambda i: (i, 0, 0)),
        ],
        out_shape=[
            jax.ShapeDtypeStruct((_BN, _D), f32),
            jax.ShapeDtypeStruct((_B // 4, 4, _N), f32),
            jax.ShapeDtypeStruct((_B // 4, 4, _N), f32),
        ],
    )(x, a0, a1, a2, a3, degp, mask_f, W_gcn, b_gcn, W_dep1, b_dep1, w_dep2,
      W_bw1, b_bw1, w_bw2, scal)


def _tc_head_body(hr, mr, wr, ur, vr, lpdr, depr, sclr, lphr, lpfdr):
    b = pl.program_id(0)
    exp_temp = sclr[0, 0]
    rand_coef = sclr[0, 1]
    s_bi = sclr[0, 2]
    b16 = lambda a: a.astype(jnp.bfloat16)
    f = jnp.float32
    d = depr[b]
    hblk = hr[0]
    oh = (lax.broadcasted_iota(jnp.int32, (1, _N), 1) == d).astype(f)
    hd = jnp.sum(hblk * oh.reshape(_N, 1), axis=0, keepdims=True)
    t1a = jnp.dot(b16(hblk), b16(wr[...]), preferred_element_type=f)         + b16(ur[...]).astype(f)
    t1b = jnp.sum(b16(hblk).astype(f) * b16(vr[...]).astype(f), axis=1,
                  keepdims=True) + b16(jnp.float32(s_bi)).astype(f)
    lh = (jnp.sum(t1a * hd, axis=1, keepdims=True) + t1b).reshape(1, _N)
    hm = jnp.sum(mr[0] * oh, axis=1, keepdims=True).reshape(1, _N)
    lphr[...] = _softmax_mix_log(lh, hm, exp_temp, rand_coef)[None]
    lpfdr[...] = jnp.sum(lpdr[0] * oh, axis=-1, keepdims=True)[None]


def _tc_head(h3, mask_f, Wc, u_bi, w_bi, logp_dep, dep_ids, scal):
    f32 = jnp.float32
    return pl.pallas_call(
        _tc_head_body,
        grid=(_B,),
        in_specs=[
            pl.BlockSpec((1, _N, _D), lambda b: (b, 0, 0)),
            pl.BlockSpec((1, _N, _N), lambda b: (b, 0, 0)),
            pl.BlockSpec((_D, _D), lambda b: (0, 0)),
            pl.BlockSpec((1, _D), lambda b: (0, 0)),
            pl.BlockSpec((1, _D), lambda b: (0, 0)),
            pl.BlockSpec((1, 1, _N), lambda b: (b, 0, 0)),
            pl.BlockSpec(memory_space=pltpu.SMEM),
            pl.BlockSpec(memory_space=pltpu.SMEM),
        ],
        out_specs=[
            pl.BlockSpec((1, 1, _N), lambda b: (b, 0, 0)),
            pl.BlockSpec((1, 1, 1), lambda b: (b, 0, 0)),
        ],
        out_shape=[
            jax.ShapeDtypeStruct((_B, 1, _N), f32),
            jax.ShapeDtypeStruct((_B, 1, 1), f32),
        ],
    )(h3, mask_f, Wc, u_bi, w_bi, logp_dep.reshape(_B, 1, _N), dep_ids, scal)


def kernel(node_feats, edge_index, mask, exp_temp, rand_coef, W_gcn, b_gcn,
           W_dep1, b_dep1, W_dep2, b_dep2, W_bi, W_bw1, b_bw1, W_bw2, b_bw2):
    f32 = jnp.float32
    x = node_feats.astype(f32)
    src2 = edge_index[0].reshape(_E // _CH, _CH).astype(jnp.int32)
    dst2 = edge_index[1].reshape(_E // _CH, _CH).astype(jnp.int32)
    mask_f = mask.astype(f32)

    zrows = jnp.zeros((_BN, _Q), f32)
    zdeg = jnp.zeros((_BN // 128, 128), f32)
    o0, o1, o2, o3, degp = _sc_aggregate(x.reshape(_BN * 4, _Q), src2,
                                         dst2, zrows, zdeg)
    degp2 = degp.reshape(_NC * _NS, _BN)

    et = jnp.asarray(exp_temp, f32)
    rc = jnp.asarray(rand_coef, f32)
    scal1 = jnp.stack([et, rc, b_dep2.reshape(()).astype(f32),
                       b_bw2.reshape(()).astype(f32)]).reshape(1, 4)
    h, logp_dep, logits_bw = _tc_main(
        x, o0, o1, o2, o3, degp2, mask_f, W_gcn, b_gcn.reshape(1, _D),
        W_dep1, b_dep1.reshape(1, 512), W_dep2.reshape(1, 512),
        W_bw1, b_bw1.reshape(1, 512), W_bw2.reshape(1, 512), scal1)
    logp_dep = logp_dep.reshape(_B, _N)
    logits_bw = logits_bw.reshape(_B, _N)

    dep_ids = jax.random.categorical(jax.random.key(1), logp_dep,
                                     axis=-1)[:, None]

    Wc = W_bi[:_D, :_D]
    u_bi = W_bi[:_D, _D].reshape(1, _D)
    w_bi = W_bi[_D, :_D].reshape(1, _D)
    scal2 = jnp.stack([et, rc, W_bi[_D, _D].astype(f32)]).reshape(1, 3)
    logp_head, log_pF_dep = _tc_head(
        h.reshape(_B, _N, _D), mask_f, Wc, w_bi, u_bi, logp_dep,
        dep_ids[:, 0].astype(jnp.int32), scal2)
    logp_head = logp_head.reshape(_B, _N)
    log_pF_dep = log_pF_dep.reshape(_B, 1)

    head_ids = jax.random.categorical(jax.random.key(2), logp_head,
                                      axis=-1)[:, None]
    log_pF_head = jnp.take_along_axis(logp_head, head_ids, axis=-1)
    return (head_ids, dep_ids), (log_pF_head, log_pF_dep), logits_bw

# --- scband reference (transcript-rebuilt; emitter-appended) ---
"""Pipeline reference for scband-dpgflow-net-28174985462167 (READ-ONLY COPY).

The authoritative reference and input builder live on the scoring server;
editing this copy changes nothing except your own understanding.
"""

import jax, jax.numpy as jnp
import numpy as np


def _mlp(x, W1, b1, W2, b2):
    h = jax.nn.relu(x @ W1 + b1)
    return h @ W2 + b2


def _sample_action(key, logits, mask, exp_temp, rand_coef):
    neg = jnp.float32(-1e9)
    masked = jnp.where(mask, logits / exp_temp, neg)
    probs = jax.nn.softmax(masked, axis=-1)
    valid = mask.astype(jnp.float32)
    uni = valid / jnp.clip(jnp.sum(valid, axis=-1, keepdims=True), 1.0, None)
    probs = (1.0 - rand_coef) * probs + rand_coef * uni
    logp = jnp.log(probs + 1e-20)
    ids = jax.random.categorical(key, logp, axis=-1)[:, None]
    log_pF = jnp.take_along_axis(logp, ids, axis=-1)
    return ids, log_pF


def setup_inputs(seed: int = 0):
    key = jax.random.key(seed)
    ks = jax.random.split(key, 12)
    B, N, D, IN = 32, 128, 1024, 1024
    BN = B * N
    E = 65536
    H = 512
    sc = lambda k, sh: jax.random.normal(k, sh, jnp.float32) * (1.0 / np.sqrt(sh[0]))
    inp = {}
    inp['node_feats'] = jax.random.normal(ks[0], (BN, IN), jnp.float32)
    inp['edge_index'] = jax.random.randint(ks[1], (2, E), 0, BN)
    inp['mask'] = jax.random.bernoulli(ks[2], 0.5, (B, N, N))
    inp['exp_temp'] = 1.0
    inp['rand_coef'] = 0.05
    inp['W_gcn'] = sc(ks[3], (IN, D))
    inp['b_gcn'] = jnp.zeros((D,), jnp.float32)
    inp['W_dep1'] = sc(ks[4], (D, H))
    inp['b_dep1'] = jnp.zeros((H,), jnp.float32)
    inp['W_dep2'] = sc(ks[5], (H, 1))
    inp['b_dep2'] = jnp.zeros((1,), jnp.float32)
    inp['W_bi'] = sc(ks[6], (D + 1, D + 1))
    inp['W_bw1'] = sc(ks[7], (D, H))
    inp['b_bw1'] = jnp.zeros((H,), jnp.float32)
    inp['W_bw2'] = sc(ks[8], (H, 1))
    inp['b_bw2'] = jnp.zeros((1,), jnp.float32)
    return inp


def reference(node_feats, edge_index, mask, exp_temp, rand_coef, W_gcn, b_gcn,
              W_dep1, b_dep1, W_dep2, b_dep2, W_bi, W_bw1, b_bw1, W_bw2, b_bw2):
    B, N, _ = mask.shape
    BN = node_feats.shape[0]
    D = W_gcn.shape[1]
    src, dst = edge_index[0], edge_index[1]
    agg = jax.ops.segment_sum(node_feats[src], dst, num_segments=BN)
    deg = jnp.clip(jax.ops.segment_sum(jnp.ones((src.shape[0],), jnp.float32), dst, num_segments=BN), 1.0, None)
    h = jax.nn.relu((node_feats + agg / deg[:, None]) @ W_gcn + b_gcn)
    hidden = h.reshape(B, N, D)
    k1 = jax.random.key(1)
    k2 = jax.random.key(2)
    # forward_policy
    dep_mask = jnp.any(mask, axis=1)
    logits_dep = _mlp(hidden, W_dep1, b_dep1, W_dep2, b_dep2).squeeze(-1)
    dep_ids, log_pF_dep = _sample_action(k1, logits_dep, dep_mask, exp_temp, rand_coef)
    head_mask = jnp.take_along_axis(mask, dep_ids[:, None, :], axis=-1).squeeze(-1)
    x_dep = jnp.take_along_axis(hidden, dep_ids[:, :, None], axis=1)
    x_dep = jnp.broadcast_to(x_dep, (B, N, D))
    ones = jnp.ones((B * N, 1), jnp.float32)
    x1 = jnp.concatenate([hidden.reshape(B * N, D), ones], axis=-1)
    x2 = jnp.concatenate([x_dep.reshape(B * N, D), ones], axis=-1)
    logits_head = jnp.einsum('nd,de,ne->n', x1, W_bi, x2).reshape(B, N)
    head_ids, log_pF_head = _sample_action(k2, logits_head, head_mask, exp_temp, rand_coef)
    # backward_logits
    bmask = ~jnp.any(mask, axis=1)
    bmask = bmask.at[:, 0].set(False)
    logits_bw = _mlp(hidden, W_bw1, b_bw1, W_bw2, b_bw2).squeeze(-1)
    logits_bw = jnp.where(bmask, logits_bw, jnp.float32(-1e9))
    return (head_ids, dep_ids), (log_pF_head, log_pF_dep), logits_bw

if __name__ == "__main__":
    import jax
    _d = setup_inputs()
    print(jax.jit(kernel)(*tuple(_d.values())))

</pallas_src>

<mosaic_0001>
#map = affine_map<(d0, d1) -> (0, 0)>
#map1 = affine_map<(d0, d1) -> (0, 0, 0)>
module attributes {stable_mosaic.version = 14 : i64} {
  func.func @_sc_body(%arg0: i32, %arg1: i32, %arg2: memref<16384x256xf32, #tpu.memory_space<hbm>>, %arg3: memref<2048x32xi32, #tpu.memory_space<hbm>>, %arg4: memref<2048x32xi32, #tpu.memory_space<hbm>>, %arg5: memref<4096x256xf32, #tpu.memory_space<hbm>>, %arg6: memref<32x128xf32, #tpu.memory_space<hbm>>, %arg7: memref<4096x256xf32, #tpu.memory_space<hbm>>, %arg8: memref<4096x256xf32, #tpu.memory_space<hbm>>, %arg9: memref<4096x256xf32, #tpu.memory_space<hbm>>, %arg10: memref<4096x256xf32, #tpu.memory_space<hbm>>, %arg11: memref<32x32x128xf32, #tpu.memory_space<hbm>>, %arg12: memref<128x32xi32, #tpu.memory_space<vmem>>, %arg13: memref<128x32xi32, #tpu.memory_space<vmem>>, %arg14: memref<128x32xi32, #tpu.memory_space<vmem>>, %arg15: memref<128x32xi32, #tpu.memory_space<vmem>>, %arg16: memref<32x256xf32, #tpu.memory_space<vmem>>, %arg17: memref<32x256xf32, #tpu.memory_space<vmem>>, %arg18: memref<32x256xf32, #tpu.memory_space<vmem>>, %arg19: memref<32x256xf32, #tpu.memory_space<vmem>>, %arg20: memref<32x128xf32, #tpu.memory_space<vmem>>, %arg21: memref<4096x256xf32, #tpu.memory_space<vmem_shared>>, %arg22: memref<!tpu.dma_semaphore, #tpu.memory_space<semaphore_mem>>, %arg23: memref<!tpu.dma_semaphore, #tpu.memory_space<semaphore_mem>>, %arg24: memref<!tpu.dma_semaphore, #tpu.memory_space<semaphore_mem>>, %arg25: memref<!tpu.dma_semaphore, #tpu.memory_space<semaphore_mem>>, %arg26: memref<!tpu.dma_semaphore, #tpu.memory_space<semaphore_mem>>, %arg27: memref<!tpu.dma_semaphore, #tpu.memory_space<semaphore_mem>>, %arg28: memref<!tpu.dma_semaphore, #tpu.memory_space<semaphore_mem>>, %arg29: memref<!tpu.dma_semaphore, #tpu.memory_space<semaphore_mem>>) attributes {dimension_semantics = [#tpu.dimension_semantics<core_parallel>, #tpu.dimension_semantics<subcore_parallel>], iteration_bounds = array<i64: 2, 16>, scalar_prefetch = 0 : i64, scratch_operands = 18 : i64, tpu.core_type = #tpu.core_type<sc_vector_subcore>, window_params = [{transform_indices = #map}, {transform_indices = #map}, {transform_indices = #map}, {transform_indices = #map}, {transform_indices = #map}, {transform_indices = #map}, {transform_indices = #map}, {transform_indices = #map}, {transform_indices = #map}, {transform_indices = #map1}]} {
    %mul3A = arith.constant 2 : i32
    %mul3A_0 = arith.muli %arg1, %mul3A : i32
    %add3A = arith.addi %mul3A_0, %arg0 : i32
    %mul3A_1 = arith.constant 128 : i32
    %mul3A_2 = arith.muli %arg1, %mul3A_1 : i32
    "tpu.region"() ({
      %run_scoped3A = tpu.sem_alloc : memref<!tpu.dma_semaphore, #tpu.memory_space<semaphore_mem>>
      %dma_start3A_169 = arith.constant 0 : i32
      %dma_start3A_170 = tpu.memref_slice %arg3[%mul3A_2, %dma_start3A_169] : memref<2048x32xi32, #tpu.memory_space<hbm>> -> memref<128x32xi32, #tpu.memory_space<hbm>>
      %dma_start3A_171 = arith.constant 0 : i32
      %dma_start3A_172 = tpu.memref_slice %arg3[%mul3A_2, %dma_start3A_171] : memref<2048x32xi32, #tpu.memory_space<hbm>> -> memref<128x32xi32, #tpu.memory_space<hbm>>
      tpu.enqueue_dma source(%dma_start3A_172 : memref<128x32xi32, #tpu.memory_space<hbm>>) target(%arg12 : memref<128x32xi32, #tpu.memory_space<vmem>>) target_semaphore(%run_scoped3A : memref<!tpu.dma_semaphore, #tpu.memory_space<semaphore_mem>>)
      %dma_wait3A_173 = arith.constant 0 : i32
      %dma_wait3A_174 = tpu.memref_slice %arg3[%mul3A_2, %dma_wait3A_173] : memref<2048x32xi32, #tpu.memory_space<hbm>> -> memref<128x32xi32, #tpu.memory_space<hbm>>
      %dma_wait3A_175 = arith.constant 0 : i32
      %dma_wait3A_176 = tpu.memref_slice %arg3[%mul3A_2, %dma_wait3A_175] : memref<2048x32xi32, #tpu.memory_space<hbm>> -> memref<128x32xi32, #tpu.memory_space<hbm>>
      tpu.wait_dma2 semaphore(%run_scoped3A : memref<!tpu.dma_semaphore, #tpu.memory_space<semaphore_mem>>) src(%dma_wait3A_176 : memref<128x32xi32, #tpu.memory_space<hbm>>) dst(%arg12 : memref<128x32xi32, #tpu.memory_space<vmem>>)
      tpu.yield
    }) : () -> ()
    %mul3A_3 = arith.constant 128 : i32
    %mul3A_4 = arith.muli %arg1, %mul3A_3 : i32
    "tpu.region"() ({
      %run_scoped3A = tpu.sem_alloc : memref<!tpu.dma_semaphore, #tpu.memory_space<semaphore_mem>>
      %dma_start3A_169 = arith.constant 0 : i32
      %dma_start3A_170 = tpu.memref_slice %arg4[%mul3A_4, %dma_start3A_169] : memref<2048x32xi32, #tpu.memory_space<hbm>> -> memref<128x32xi32, #tpu.memory_space<hbm>>
      %dma_start3A_171 = arith.constant 0 : i32
      %dma_start3A_172 = tpu.memref_slice %arg4[%mul3A_4, %dma_start3A_171] : memref<2048x32xi32, #tpu.memory_space<hbm>> -> memref<128x32xi32, #tpu.memory_space<hbm>>
      tpu.enqueue_dma source(%dma_start3A_172 : memref<128x32xi32, #tpu.memory_space<hbm>>) target(%arg13 : memref<128x32xi32, #tpu.memory_space<vmem>>) target_semaphore(%run_scoped3A : memref<!tpu.dma_semaphore, #tpu.memory_space<semaphore_mem>>)
      %dma_wait3A_173 = arith.constant 0 : i32
      %dma_wait3A_174 = tpu.memref_slice %arg4[%mul3A_4, %dma_wait3A_173] : memref<2048x32xi32, #tpu.memory_space<hbm>> -> memref<128x32xi32, #tpu.memory_space<hbm>>
      %dma_wait3A_175 = arith.constant 0 : i32
      %dma_wait3A_176 = tpu.memref_slice %arg4[%mul3A_4, %dma_wait3A_175] : memref<2048x32xi32, #tpu.memory_space<hbm>> -> memref<128x32xi32, #tpu.memory_space<hbm>>
      tpu.wait_dma2 semaphore(%run_scoped3A : memref<!tpu.dma_semaphore, #tpu.memory_space<semaphore_mem>>) src(%dma_wait3A_176 : memref<128x32xi32, #tpu.memory_space<hbm>>) dst(%arg13 : memref<128x32xi32, #tpu.memory_space<vmem>>)
      tpu.yield
    }) : () -> ()
    "tpu.region"() ({
      %run_scoped3A = tpu.sem_alloc : memref<!tpu.dma_semaphore, #tpu.memory_space<semaphore_mem>>
      tpu.enqueue_dma source(%arg6 : memref<32x128xf32, #tpu.memory_space<hbm>>) target(%arg20 : memref<32x128xf32, #tpu.memory_space<vmem>>) target_semaphore(%run_scoped3A : memref<!tpu.dma_semaphore, #tpu.memory_space<semaphore_mem>>)
      tpu.wait_dma2 semaphore(%run_scoped3A : memref<!tpu.dma_semaphore, #tpu.memory_space<semaphore_mem>>) src(%arg6 : memref<32x128xf32, #tpu.memory_space<hbm>>) dst(%arg20 : memref<32x128xf32, #tpu.memory_space<vmem>>)
      tpu.yield
    }) : () -> ()
    %scan3A = arith.constant 0 : i32
    %scan3A_5 = arith.constant 0 : i32
    %scan3A_6 = arith.constant 256 : i32
    %scan3A_7 = arith.addi %scan3A_5, %scan3A_6 : i32
    %scan3A_8 = arith.constant 1 : i32
    scf.for %scan3A_169 = %scan3A_5 to %scan3A_7 step %scan3A_8  : i32 {
      %shift_right_arithmetic3A = arith.constant 1 : i32
      %shift_right_arithmetic3A_170 = arith.shrsi %scan3A_169, %shift_right_arithmetic3A : i32
      %and3A = arith.constant 1 : i32
      %and3A_171 = arith.andi %scan3A_169, %and3A : i32
      %mul3A_172 = arith.constant 16 : i32
      %mul3A_173 = arith.muli %and3A_171, %mul3A_172 : i32
      %get3A = arith.index_cast %shift_right_arithmetic3A_170 : i32 to index
      %get3A_174 = arith.index_cast %mul3A_173 : i32 to index
      %get3A_175 = tpu.vector_load %arg12[%get3A, %get3A_174] {strides = array<i32>} : memref<128x32xi32, #tpu.memory_space<vmem>>, vector<16xi32>,
      %mul3A_176 = arith.constant 4 : i32
      %mul3A_177 = vector.broadcast %mul3A_176 : i32 to vector<16xi32>
      %mul3A_178 = arith.muli %get3A_175, %mul3A_177 : vector<16xi32>
      %add3A_179 = vector.broadcast %arg0 : i32 to vector<16xi32>
      %add3A_180 = arith.addi %mul3A_178, %add3A_179 : vector<16xi32>
      %swap3A = arith.index_cast %shift_right_arithmetic3A_170 : i32 to index
      %swap3A_181 = arith.index_cast %mul3A_173 : i32 to index
      %swap3A_182 = tpu.vector_load %arg14[%swap3A, %swap3A_181] {strides = array<i32>} : memref<128x32xi32, #tpu.memory_space<vmem>>, vector<16xi32>,
      tpu.vector_store %arg14[%swap3A, %swap3A_181], %add3A_180 {strides = array<i32>} : memref<128x32xi32, #tpu.memory_space<vmem>>, vector<16xi32>,
      %add3A_183 = arith.constant 2 : i32
      %add3A_184 = vector.broadcast %add3A_183 : i32 to vector<16xi32>
      %add3A_185 = arith.addi %add3A_180, %add3A_184 : vector<16xi32>
      %swap3A_186 = arith.index_cast %shift_right_arithmetic3A_170 : i32 to index
      %swap3A_187 = arith.index_cast %mul3A_173 : i32 to index
      %swap3A_188 = tpu.vector_load %arg15[%swap3A_186, %swap3A_187] {strides = array<i32>} : memref<128x32xi32, #tpu.memory_space<vmem>>, vector<16xi32>,
      tpu.vector_store %arg15[%swap3A_186, %swap3A_187], %add3A_185 {strides = array<i32>} : memref<128x32xi32, #tpu.memory_space<vmem>>, vector<16xi32>,
    }
    %scan3A_9 = arith.constant 256 : i32
    %broadcast_in_dim3A = arith.constant 1.000000e+00 : f32
    %broadcast_in_dim3A_10 = vector.broadcast %broadcast_in_dim3A : f32 to vector<16xf32>
    %scan3A_11 = arith.constant 0 : i32
    %scan3A_12 = arith.constant 0 : i32
    %scan3A_13 = arith.constant 256 : i32
    %scan3A_14 = arith.addi %scan3A_12, %scan3A_13 : i32
    %scan3A_15 = arith.constant 1 : i32
    scf.for %scan3A_169 = %scan3A_12 to %scan3A_14 step %scan3A_15  : i32 {
      %shift_right_arithmetic3A = arith.constant 1 : i32
      %shift_right_arithmetic3A_170 = arith.shrsi %scan3A_169, %shift_right_arithmetic3A : i32
      %and3A = arith.constant 1 : i32
      %and3A_171 = arith.andi %scan3A_169, %and3A : i32
      %mul3A_172 = arith.constant 16 : i32
      %mul3A_173 = arith.muli %and3A_171, %mul3A_172 : i32
      %get3A = arith.index_cast %shift_right_arithmetic3A_170 : i32 to index
      %get3A_174 = arith.index_cast %mul3A_173 : i32 to index
      %get3A_175 = tpu.vector_load %arg13[%get3A, %get3A_174] {strides = array<i32>} : memref<128x32xi32, #tpu.memory_space<vmem>>, vector<16xi32>,
      %shift_right_logical3A = arith.constant 7 : i32
      %shift_right_logical3A_176 = vector.broadcast %shift_right_logical3A : i32 to vector<16xi32>
      %shift_right_logical3A_177 = arith.shrui %get3A_175, %shift_right_logical3A_176 : vector<16xi32>
      %and3A_178 = arith.constant 127 : i32
      %and3A_179 = vector.broadcast %and3A_178 : i32 to vector<16xi32>
      %and3A_180 = arith.andi %get3A_175, %and3A_179 : vector<16xi32>
      tpu.vector_store_idx %arg20[%shift_right_logical3A_177, %and3A_180], %broadcast_in_dim3A_10 {add = true} : memref<32x128xf32, #tpu.memory_space<vmem>>[vector<16xi32>, vector<16xi32>], vector<16xf32>,
    }
    %scan3A_16 = arith.constant 256 : i32
    %mul3A_17 = arith.constant 256 : i32
    %mul3A_18 = arith.muli %arg1, %mul3A_17 : i32
    %mul3A_19 = arith.constant 256 : i32
    %mul3A_20 = arith.muli %arg1, %mul3A_19 : i32
    "tpu.region"() ({
      %run_scoped3A = tpu.sem_alloc : memref<!tpu.dma_semaphore, #tpu.memory_space<semaphore_mem>>
      %dma_start3A_169 = arith.constant 0 : i32
      %dma_start3A_170 = tpu.memref_slice %arg21[%mul3A_20, %dma_start3A_169] : memref<4096x256xf32, #tpu.memory_space<vmem_shared>> -> memref<256x256xf32, #tpu.memory_space<vmem_shared>>
      %dma_start3A_171 = arith.constant 0 : i32
      %dma_start3A_172 = tpu.memref_slice %arg5[%mul3A_18, %dma_start3A_171] : memref<4096x256xf32, #tpu.memory_space<hbm>> -> memref<256x256xf32, #tpu.memory_space<hbm>>
      tpu.enqueue_dma source(%dma_start3A_172 : memref<256x256xf32, #tpu.memory_space<hbm>>) target(%dma_start3A_170 : memref<256x256xf32, #tpu.memory_space<vmem_shared>>) target_semaphore(%run_scoped3A : memref<!tpu.dma_semaphore, #tpu.memory_space<semaphore_mem>>)
      %dma_wait3A_173 = arith.constant 0 : i32
      %dma_wait3A_174 = tpu.memref_slice %arg21[%mul3A_20, %dma_wait3A_173] : memref<4096x256xf32, #tpu.memory_space<vmem_shared>> -> memref<256x256xf32, #tpu.memory_space<vmem_shared>>
      %dma_wait3A_175 = arith.constant 0 : i32
      %dma_wait3A_176 = tpu.memref_slice %arg5[%mul3A_18, %dma_wait3A_175] : memref<4096x256xf32, #tpu.memory_space<hbm>> -> memref<256x256xf32, #tpu.memory_space<hbm>>
      tpu.wait_dma2 semaphore(%run_scoped3A : memref<!tpu.dma_semaphore, #tpu.memory_space<semaphore_mem>>) src(%dma_wait3A_176 : memref<256x256xf32, #tpu.memory_space<hbm>>) dst(%dma_wait3A_174 : memref<256x256xf32, #tpu.memory_space<vmem_shared>>)
      tpu.yield
    }) : () -> ()
    %barrier3A = arith.constant 0 : index
    tpu.barrier barrier_id(%barrier3A)
    %dma_start3A = arith.constant 0 : i32
    %dma_start3A_21 = arith.constant 0 : i32
    %dma_start3A_22 = tpu.memref_slice %arg14[%dma_start3A, %dma_start3A_21] : memref<128x32xi32, #tpu.memory_space<vmem>> -> memref<1x32xi32, #tpu.memory_space<vmem>>
    %dma_start3A_23 = tpu.memref_squeeze %dma_start3A_22 : memref<1x32xi32, #tpu.memory_space<vmem>> -> memref<32xi32, #tpu.memory_space<vmem>>
    %dma_start3A_24 = arith.constant 0 : i32
    %dma_start3A_25 = arith.constant 0 : i32
    %dma_start3A_26 = tpu.memref_slice %arg2[%dma_start3A_24, %dma_start3A_25] : memref<16384x256xf32, #tpu.memory_space<hbm>> -> memref<16384x256xf32, #tpu.memory_space<hbm>>
    tpu.enqueue_indirect_dma source(%dma_start3A_26 : memref<16384x256xf32, #tpu.memory_space<hbm>>) target(%arg16 : memref<32x256xf32, #tpu.memory_space<vmem>>) offsets(%dma_start3A_23 : memref<32xi32, #tpu.memory_space<vmem>>) semaphore(%arg22 : memref<!tpu.dma_semaphore, #tpu.memory_space<semaphore_mem>>)
    %dma_start3A_27 = arith.constant 1 : i32
    %dma_start3A_28 = arith.constant 0 : i32
    %dma_start3A_29 = tpu.memref_slice %arg14[%dma_start3A_27, %dma_start3A_28] : memref<128x32xi32, #tpu.memory_space<vmem>> -> memref<1x32xi32, #tpu.memory_space<vmem>>
    %dma_start3A_30 = tpu.memref_squeeze %dma_start3A_29 : memref<1x32xi32, #tpu.memory_space<vmem>> -> memref<32xi32, #tpu.memory_space<vmem>>
    %dma_start3A_31 = arith.constant 0 : i32
    %dma_start3A_32 = arith.constant 0 : i32
    %dma_start3A_33 = tpu.memref_slice %arg2[%dma_start3A_31, %dma_start3A_32] : memref<16384x256xf32, #tpu.memory_space<hbm>> -> memref<16384x256xf32, #tpu.memory_space<hbm>>
    tpu.enqueue_indirect_dma source(%dma_start3A_33 : memref<16384x256xf32, #tpu.memory_space<hbm>>) target(%arg17 : memref<32x256xf32, #tpu.memory_space<vmem>>) offsets(%dma_start3A_30 : memref<32xi32, #tpu.memory_space<vmem>>) semaphore(%arg23 : memref<!tpu.dma_semaphore, #tpu.memory_space<semaphore_mem>>)
    %dma_start3A_34 = arith.constant 2 : i32
    %dma_start3A_35 = arith.constant 0 : i32
    %dma_start3A_36 = tpu.memref_slice %arg14[%dma_start3A_34, %dma_start3A_35] : memref<128x32xi32, #tpu.memory_space<vmem>> -> memref<1x32xi32, #tpu.memory_space<vmem>>
    %dma_start3A_37 = tpu.memref_squeeze %dma_start3A_36 : memref<1x32xi32, #tpu.memory_space<vmem>> -> memref<32xi32, #tpu.memory_space<vmem>>
    %dma_start3A_38 = arith.constant 0 : i32
    %dma_start3A_39 = arith.constant 0 : i32
    %dma_start3A_40 = tpu.memref_slice %arg2[%dma_start3A_38, %dma_start3A_39] : memref<16384x256xf32, #tpu.memory_space<hbm>> -> memref<16384x256xf32, #tpu.memory_space<hbm>>
    tpu.enqueue_indirect_dma source(%dma_start3A_40 : memref<16384x256xf32, #tpu.memory_space<hbm>>) target(%arg18 : memref<32x256xf32, #tpu.memory_space<vmem>>) offsets(%dma_start3A_37 : memref<32xi32, #tpu.memory_space<vmem>>) semaphore(%arg24 : memref<!tpu.dma_semaphore, #tpu.memory_space<semaphore_mem>>)
    %dma_start3A_41 = arith.constant 3 : i32
    %dma_start3A_42 = arith.constant 0 : i32
    %dma_start3A_43 = tpu.memref_slice %arg14[%dma_start3A_41, %dma_start3A_42] : memref<128x32xi32, #tpu.memory_space<vmem>> -> memref<1x32xi32, #tpu.memory_space<vmem>>
    %dma_start3A_44 = tpu.memref_squeeze %dma_start3A_43 : memref<1x32xi32, #tpu.memory_space<vmem>> -> memref<32xi32, #tpu.memory_space<vmem>>
    %dma_start3A_45 = arith.constant 0 : i32
    %dma_start3A_46 = arith.constant 0 : i32
    %dma_start3A_47 = tpu.memref_slice %arg2[%dma_start3A_45, %dma_start3A_46] : memref<16384x256xf32, #tpu.memory_space<hbm>> -> memref<16384x256xf32, #tpu.memory_space<hbm>>
    tpu.enqueue_indirect_dma source(%dma_start3A_47 : memref<16384x256xf32, #tpu.memory_space<hbm>>) target(%arg19 : memref<32x256xf32, #tpu.memory_space<vmem>>) offsets(%dma_start3A_44 : memref<32xi32, #tpu.memory_space<vmem>>) semaphore(%arg25 : memref<!tpu.dma_semaphore, #tpu.memory_space<semaphore_mem>>)
    %scan3A_48 = arith.constant 0 : i32
    %scan3A_49 = arith.constant 0 : i32
    %scan3A_50 = arith.constant 32 : i32
    %scan3A_51 = arith.addi %scan3A_49, %scan3A_50 : i32
    %scan3A_52 = arith.constant 1 : i32
    scf.for %scan3A_169 = %scan3A_49 to %scan3A_51 step %scan3A_52  : i32 {
      %mul3A_170 = arith.constant 4 : i32
      %mul3A_171 = arith.muli %scan3A_169, %mul3A_170 : i32
      %add3A_172 = arith.constant 0 : i32
      %add3A_173 = arith.addi %mul3A_171, %add3A_172 : i32
      %dma_wait3A_174 = arith.constant 0 : i32
      %dma_wait3A_175 = tpu.memref_slice %arg14[%add3A_173, %dma_wait3A_174] : memref<128x32xi32, #tpu.memory_space<vmem>> -> memref<1x32xi32, #tpu.memory_space<vmem>>
      %dma_wait3A_176 = tpu.memref_squeeze %dma_wait3A_175 : memref<1x32xi32, #tpu.memory_space<vmem>> -> memref<32xi32, #tpu.memory_space<vmem>>
      %dma_wait3A_177 = arith.constant 0 : i32
      %dma_wait3A_178 = arith.constant 0 : i32
      %dma_wait3A_179 = tpu.memref_slice %arg2[%dma_wait3A_177, %dma_wait3A_178] : memref<16384x256xf32, #tpu.memory_space<hbm>> -> memref<16384x256xf32, #tpu.memory_space<hbm>>
      tpu.wait_indirect_dma semaphore(%arg22 : memref<!tpu.dma_semaphore, #tpu.memory_space<semaphore_mem>>) src(%dma_wait3A_179 : memref<16384x256xf32, #tpu.memory_space<hbm>>) dst(%arg16 : memref<32x256xf32, #tpu.memory_space<vmem>>)
      %dma_start3A_180 = arith.constant 0 : i32
      %dma_start3A_181 = tpu.memref_slice %arg13[%add3A_173, %dma_start3A_180] : memref<128x32xi32, #tpu.memory_space<vmem>> -> memref<1x32xi32, #tpu.memory_space<vmem>>
      %dma_start3A_182 = tpu.memref_squeeze %dma_start3A_181 : memref<1x32xi32, #tpu.memory_space<vmem>> -> memref<32xi32, #tpu.memory_space<vmem>>
      %dma_start3A_183 = arith.constant 0 : i32
      %dma_start3A_184 = arith.constant 0 : i32
      %dma_start3A_185 = tpu.memref_slice %arg21[%dma_start3A_183, %dma_start3A_184] : memref<4096x256xf32, #tpu.memory_space<vmem_shared>> -> memref<4096x256xf32, #tpu.memory_space<vmem_shared>>
      tpu.enqueue_indirect_dma source(%arg16 : memref<32x256xf32, #tpu.memory_space<vmem>>) target(%dma_start3A_185 : memref<4096x256xf32, #tpu.memory_space<vmem_shared>>) offsets(%dma_start3A_182 : memref<32xi32, #tpu.memory_space<vmem>>) semaphore(%arg26 : memref<!tpu.dma_semaphore, #tpu.memory_space<semaphore_mem>>) {add = true}
      %add3A_186 = arith.constant 4 : i32
      %add3A_187 = arith.addi %add3A_173, %add3A_186 : i32
      %lt3A = arith.constant 128 : i32
      %lt3A_188 = arith.cmpi slt, %add3A_187, %lt3A : i32
      %convert_element_type3A_189 = arith.extui %lt3A_188 : i1 to i32
      %cond3A_190 = arith.constant 0 : i32
      %cond3A_191 = arith.cmpi ne, %convert_element_type3A_189, %cond3A_190 : i32
      scf.if %cond3A_191 {
        %dma_wait3A_255 = arith.constant 0 : i32
        %dma_wait3A_256 = tpu.memref_slice %arg13[%add3A_173, %dma_wait3A_255] : memref<128x32xi32, #tpu.memory_space<vmem>> -> memref<1x32xi32, #tpu.memory_space<vmem>>
        %dma_wait3A_257 = tpu.memref_squeeze %dma_wait3A_256 : memref<1x32xi32, #tpu.memory_space<vmem>> -> memref<32xi32, #tpu.memory_space<vmem>>
        %dma_wait3A_258 = arith.constant 0 : i32
        %dma_wait3A_259 = arith.constant 0 : i32
        %dma_wait3A_260 = tpu.memref_slice %arg21[%dma_wait3A_258, %dma_wait3A_259] : memref<4096x256xf32, #tpu.memory_space<vmem_shared>> -> memref<4096x256xf32, #tpu.memory_space<vmem_shared>>
        tpu.wait_indirect_dma semaphore(%arg26 : memref<!tpu.dma_semaphore, #tpu.memory_space<semaphore_mem>>) src(%arg16 : memref<32x256xf32, #tpu.memory_space<vmem>>) dst(%dma_wait3A_260 : memref<4096x256xf32, #tpu.memory_space<vmem_shared>>)
        %add3A_261 = arith.constant 4 : i32
        %add3A_262 = arith.addi %add3A_173, %add3A_261 : i32
        %dma_start3A_263 = arith.constant 0 : i32
        %dma_start3A_264 = tpu.memref_slice %arg14[%add3A_262, %dma_start3A_263] : memref<128x32xi32, #tpu.memory_space<vmem>> -> memref<1x32xi32, #tpu.memory_space<vmem>>
        %dma_start3A_265 = tpu.memref_squeeze %dma_start3A_264 : memref<1x32xi32, #tpu.memory_space<vmem>> -> memref<32xi32, #tpu.memory_space<vmem>>
        %dma_start3A_266 = arith.constant 0 : i32
        %dma_start3A_267 = arith.constant 0 : i32
        %dma_start3A_268 = tpu.memref_slice %arg2[%dma_start3A_266, %dma_start3A_267] : memref<16384x256xf32, #tpu.memory_space<hbm>> -> memref<16384x256xf32, #tpu.memory_space<hbm>>
        tpu.enqueue_indirect_dma source(%dma_start3A_268 : memref<16384x256xf32, #tpu.memory_space<hbm>>) target(%arg16 : memref<32x256xf32, #tpu.memory_space<vmem>>) offsets(%dma_start3A_265 : memref<32xi32, #tpu.memory_space<vmem>>) semaphore(%arg22 : memref<!tpu.dma_semaphore, #tpu.memory_space<semaphore_mem>>)
      } else {
      }
      %add3A_192 = arith.constant 1 : i32
      %add3A_193 = arith.addi %mul3A_171, %add3A_192 : i32
      %dma_wait3A_194 = arith.constant 0 : i32
      %dma_wait3A_195 = tpu.memref_slice %arg14[%add3A_193, %dma_wait3A_194] : memref<128x32xi32, #tpu.memory_space<vmem>> -> memref<1x32xi32, #tpu.memory_space<vmem>>
      %dma_wait3A_196 = tpu.memref_squeeze %dma_wait3A_195 : memref<1x32xi32, #tpu.memory_space<vmem>> -> memref<32xi32, #tpu.memory_space<vmem>>
      %dma_wait3A_197 = arith.constant 0 : i32
      %dma_wait3A_198 = arith.constant 0 : i32
      %dma_wait3A_199 = tpu.memref_slice %arg2[%dma_wait3A_197, %dma_wait3A_198] : memref<16384x256xf32, #tpu.memory_space<hbm>> -> memref<16384x256xf32, #tpu.memory_space<hbm>>
      tpu.wait_indirect_dma semaphore(%arg23 : memref<!tpu.dma_semaphore, #tpu.memory_space<semaphore_mem>>) src(%dma_wait3A_199 : memref<16384x256xf32, #tpu.memory_space<hbm>>) dst(%arg17 : memref<32x256xf32, #tpu.memory_space<vmem>>)
      %dma_start3A_200 = arith.constant 0 : i32
      %dma_start3A_201 = tpu.memref_slice %arg13[%add3A_193, %dma_start3A_200] : memref<128x32xi32, #tpu.memory_space<vmem>> -> memref<1x32xi32, #tpu.memory_space<vmem>>
      %dma_start3A_202 = tpu.memref_squeeze %dma_start3A_201 : memref<1x32xi32, #tpu.memory_space<vmem>> -> memref<32xi32, #tpu.memory_space<vmem>>
      %dma_start3A_203 = arith.constant 0 : i32
      %dma_start3A_204 = arith.constant 0 : i32
      %dma_start3A_205 = tpu.memref_slice %arg21[%dma_start3A_203, %dma_start3A_204] : memref<4096x256xf32, #tpu.memory_space<vmem_shared>> -> memref<4096x256xf32, #tpu.memory_space<vmem_shared>>
      tpu.enqueue_indirect_dma source(%arg17 : memref<32x256xf32, #tpu.memory_space<vmem>>) target(%dma_start3A_205 : memref<4096x256xf32, #tpu.memory_space<vmem_shared>>) offsets(%dma_start3A_202 : memref<32xi32, #tpu.memory_space<vmem>>) semaphore(%arg27 : memref<!tpu.dma_semaphore, #tpu.memory_space<semaphore_mem>>) {add = true}
      %add3A_206 = arith.constant 4 : i32
      %add3A_207 = arith.addi %add3A_193, %add3A_206 : i32
      %lt3A_208 = arith.constant 128 : i32
      %lt3A_209 = arith.cmpi slt, %add3A_207, %lt3A_208 : i32
      %convert_element_type3A_210 = arith.extui %lt3A_209 : i1 to i32
      %cond3A_211 = arith.constant 0 : i32
      %cond3A_212 = arith.cmpi ne, %convert_element_type3A_210, %cond3A_211 : i32
      scf.if %cond3A_212 {
        %dma_wait3A_255 = arith.constant 0 : i32
        %dma_wait3A_256 = tpu.memref_slice %arg13[%add3A_193, %dma_wait3A_255] : memref<128x32xi32, #tpu.memory_space<vmem>> -> memref<1x32xi32, #tpu.memory_space<vmem>>
        %dma_wait3A_257 = tpu.memref_squeeze %dma_wait3A_256 : memref<1x32xi32, #tpu.memory_space<vmem>> -> memref<32xi32, #tpu.memory_space<vmem>>
        %dma_wait3A_258 = arith.constant 0 : i32
        %dma_wait3A_259 = arith.constant 0 : i32
        %dma_wait3A_260 = tpu.memref_slice %arg21[%dma_wait3A_258, %dma_wait3A_259] : memref<4096x256xf32, #tpu.memory_space<vmem_shared>> -> memref<4096x256xf32, #tpu.memory_space<vmem_shared>>
        tpu.wait_indirect_dma semaphore(%arg27 : memref<!tpu.dma_semaphore, #tpu.memory_space<semaphore_mem>>) src(%arg17 : memref<32x256xf32, #tpu.memory_space<vmem>>) dst(%dma_wait3A_260 : memref<4096x256xf32, #tpu.memory_space<vmem_shared>>)
        %add3A_261 = arith.constant 4 : i32
        %add3A_262 = arith.addi %add3A_193, %add3A_261 : i32
        %dma_start3A_263 = arith.constant 0 : i32
        %dma_start3A_264 = tpu.memref_slice %arg14[%add3A_262, %dma_start3A_263] : memref<128x32xi32, #tpu.memory_space<vmem>> -> memref<1x32xi32, #tpu.memory_space<vmem>>
        %dma_start3A_265 = tpu.memref_squeeze %dma_start3A_264 : memref<1x32xi32, #tpu.memory_space<vmem>> -> memref<32xi32, #tpu.memory_space<vmem>>
        %dma_start3A_266 = arith.constant 0 : i32
        %dma_start3A_267 = arith.constant 0 : i32
        %dma_start3A_268 = tpu.memref_slice %arg2[%dma_start3A_266, %dma_start3A_267] : memref<16384x256xf32, #tpu.memory_space<hbm>> -> memref<16384x256xf32, #tpu.memory_space<hbm>>
        tpu.enqueue_indirect_dma source(%dma_start3A_268 : memref<16384x256xf32, #tpu.memory_space<hbm>>) target(%arg17 : memref<32x256xf32, #tpu.memory_space<vmem>>) offsets(%dma_start3A_265 : memref<32xi32, #tpu.memory_space<vmem>>) semaphore(%arg23 : memref<!tpu.dma_semaphore, #tpu.memory_space<semaphore_mem>>)
      } else {
      }
      %add3A_213 = arith.constant 2 : i32
      %add3A_214 = arith.addi %mul3A_171, %add3A_213 : i32
      %dma_wait3A_215 = arith.constant 0 : i32
      %dma_wait3A_216 = tpu.memref_slice %arg14[%add3A_214, %dma_wait3A_215] : memref<128x32xi32, #tpu.memory_space<vmem>> -> memref<1x32xi32, #tpu.memory_space<vmem>>
      %dma_wait3A_217 = tpu.memref_squeeze %dma_wait3A_216 : memref<1x32xi32, #tpu.memory_space<vmem>> -> memref<32xi32, #tpu.memory_space<vmem>>
      %dma_wait3A_218 = arith.constant 0 : i32
      %dma_wait3A_219 = arith.constant 0 : i32
      %dma_wait3A_220 = tpu.memref_slice %arg2[%dma_wait3A_218, %dma_wait3A_219] : memref<16384x256xf32, #tpu.memory_space<hbm>> -> memref<16384x256xf32, #tpu.memory_space<hbm>>
      tpu.wait_indirect_dma semaphore(%arg24 : memref<!tpu.dma_semaphore, #tpu.memory_space<semaphore_mem>>) src(%dma_wait3A_220 : memref<16384x256xf32, #tpu.memory_space<hbm>>) dst(%arg18 : memref<32x256xf32, #tpu.memory_space<vmem>>)
      %dma_start3A_221 = arith.constant 0 : i32
      %dma_start3A_222 = tpu.memref_slice %arg13[%add3A_214, %dma_start3A_221] : memref<128x32xi32, #tpu.memory_space<vmem>> -> memref<1x32xi32, #tpu.memory_space<vmem>>
      %dma_start3A_223 = tpu.memref_squeeze %dma_start3A_222 : memref<1x32xi32, #tpu.memory_space<vmem>> -> memref<32xi32, #tpu.memory_space<vmem>>
      %dma_start3A_224 = arith.constant 0 : i32
      %dma_start3A_225 = arith.constant 0 : i32
      %dma_start3A_226 = tpu.memref_slice %arg21[%dma_start3A_224, %dma_start3A_225] : memref<4096x256xf32, #tpu.memory_space<vmem_shared>> -> memref<4096x256xf32, #tpu.memory_space<vmem_shared>>
      tpu.enqueue_indirect_dma source(%arg18 : memref<32x256xf32, #tpu.memory_space<vmem>>) target(%dma_start3A_226 : memref<4096x256xf32, #tpu.memory_space<vmem_shared>>) offsets(%dma_start3A_223 : memref<32xi32, #tpu.memory_space<vmem>>) semaphore(%arg28 : memref<!tpu.dma_semaphore, #tpu.memory_space<semaphore_mem>>) {add = true}
      %add3A_227 = arith.constant 4 : i32
      %add3A_228 = arith.addi %add3A_214, %add3A_227 : i32
      %lt3A_229 = arith.constant 128 : i32
      %lt3A_230 = arith.cmpi slt, %add3A_228, %lt3A_229 : i32
      %convert_element_type3A_231 = arith.extui %lt3A_230 : i1 to i32
      %cond3A_232 = arith.constant 0 : i32
      %cond3A_233 = arith.cmpi ne, %convert_element_type3A_231, %cond3A_232 : i32
      scf.if %cond3A_233 {
        %dma_wait3A_255 = arith.constant 0 : i32
        %dma_wait3A_256 = tpu.memref_slice %arg13[%add3A_214, %dma_wait3A_255] : memref<128x32xi32, #tpu.memory_space<vmem>> -> memref<1x32xi32, #tpu.memory_space<vmem>>
        %dma_wait3A_257 = tpu.memref_squeeze %dma_wait3A_256 : memref<1x32xi32, #tpu.memory_space<vmem>> -> memref<32xi32, #tpu.memory_space<vmem>>
        %dma_wait3A_258 = arith.constant 0 : i32
        %dma_wait3A_259 = arith.constant 0 : i32
        %dma_wait3A_260 = tpu.memref_slice %arg21[%dma_wait3A_258, %dma_wait3A_259] : memref<4096x256xf32, #tpu.memory_space<vmem_shared>> -> memref<4096x256xf32, #tpu.memory_space<vmem_shared>>
        tpu.wait_indirect_dma semaphore(%arg28 : memref<!tpu.dma_semaphore, #tpu.memory_space<semaphore_mem>>) src(%arg18 : memref<32x256xf32, #tpu.memory_space<vmem>>) dst(%dma_wait3A_260 : memref<4096x256xf32, #tpu.memory_space<vmem_shared>>)
        %add3A_261 = arith.constant 4 : i32
        %add3A_262 = arith.addi %add3A_214, %add3A_261 : i32
        %dma_start3A_263 = arith.constant 0 : i32
        %dma_start3A_264 = tpu.memref_slice %arg14[%add3A_262, %dma_start3A_263] : memref<128x32xi32, #tpu.memory_space<vmem>> -> memref<1x32xi32, #tpu.memory_space<vmem>>
        %dma_start3A_265 = tpu.memref_squeeze %dma_start3A_264 : memref<1x32xi32, #tpu.memory_space<vmem>> -> memref<32xi32, #tpu.memory_space<vmem>>
        %dma_start3A_266 = arith.constant 0 : i32
        %dma_start3A_267 = arith.constant 0 : i32
        %dma_start3A_268 = tpu.memref_slice %arg2[%dma_start3A_266, %dma_start3A_267] : memref<16384x256xf32, #tpu.memory_space<hbm>> -> memref<16384x256xf32, #tpu.memory_space<hbm>>
        tpu.enqueue_indirect_dma source(%dma_start3A_268 : memref<16384x256xf32, #tpu.memory_space<hbm>>) target(%arg18 : memref<32x256xf32, #tpu.memory_space<vmem>>) offsets(%dma_start3A_265 : memref<32xi32, #tpu.memory_space<vmem>>) semaphore(%arg24 : memref<!tpu.dma_semaphore, #tpu.memory_space<semaphore_mem>>)
      } else {
      }
      %add3A_234 = arith.constant 3 : i32
      %add3A_235 = arith.addi %mul3A_171, %add3A_234 : i32
      %dma_wait3A_236 = arith.constant 0 : i32
      %dma_wait3A_237 = tpu.memref_slice %arg14[%add3A_235, %dma_wait3A_236] : memref<128x32xi32, #tpu.memory_space<vmem>> -> memref<1x32xi32, #tpu.memory_space<vmem>>
      %dma_wait3A_238 = tpu.memref_squeeze %dma_wait3A_237 : memref<1x32xi32, #tpu.memory_space<vmem>> -> memref<32xi32, #tpu.memory_space<vmem>>
      %dma_wait3A_239 = arith.constant 0 : i32
      %dma_wait3A_240 = arith.constant 0 : i32
      %dma_wait3A_241 = tpu.memref_slice %arg2[%dma_wait3A_239, %dma_wait3A_240] : memref<16384x256xf32, #tpu.memory_space<hbm>> -> memref<16384x256xf32, #tpu.memory_space<hbm>>
      tpu.wait_indirect_dma semaphore(%arg25 : memref<!tpu.dma_semaphore, #tpu.memory_space<semaphore_mem>>) src(%dma_wait3A_241 : memref<16384x256xf32, #tpu.memory_space<hbm>>) dst(%arg19 : memref<32x256xf32, #tpu.memory_space<vmem>>)
      %dma_start3A_242 = arith.constant 0 : i32
      %dma_start3A_243 = tpu.memref_slice %arg13[%add3A_235, %dma_start3A_242] : memref<128x32xi32, #tpu.memory_space<vmem>> -> memref<1x32xi32, #tpu.memory_space<vmem>>
      %dma_start3A_244 = tpu.memref_squeeze %dma_start3A_243 : memref<1x32xi32, #tpu.memory_space<vmem>> -> memref<32xi32, #tpu.memory_space<vmem>>
      %dma_start3A_245 = arith.constant 0 : i32
      %dma_start3A_246 = arith.constant 0 : i32
      %dma_start3A_247 = tpu.memref_slice %arg21[%dma_start3A_245, %dma_start3A_246] : memref<4096x256xf32, #tpu.memory_space<vmem_shared>> -> memref<4096x256xf32, #tpu.memory_space<vmem_shared>>
      tpu.enqueue_indirect_dma source(%arg19 : memref<32x256xf32, #tpu.memory_space<vmem>>) target(%dma_start3A_247 : memref<4096x256xf32, #tpu.memory_space<vmem_shared>>) offsets(%dma_start3A_244 : memref<32xi32, #tpu.memory_space<vmem>>) semaphore(%arg29 : memref<!tpu.dma_semaphore, #tpu.memory_space<semaphore_mem>>) {add = true}
      %add3A_248 = arith.constant 4 : i32
      %add3A_249 = arith.addi %add3A_235, %add3A_248 : i32
      %lt3A_250 = arith.constant 128 : i32
      %lt3A_251 = arith.cmpi slt, %add3A_249, %lt3A_250 : i32
      %convert_element_type3A_252 = arith.extui %lt3A_251 : i1 to i32
      %cond3A_253 = arith.constant 0 : i32
      %cond3A_254 = arith.cmpi ne, %convert_element_type3A_252, %cond3A_253 : i32
      scf.if %cond3A_254 {
        %dma_wait3A_255 = arith.constant 0 : i32
        %dma_wait3A_256 = tpu.memref_slice %arg13[%add3A_235, %dma_wait3A_255] : memref<128x32xi32, #tpu.memory_space<vmem>> -> memref<1x32xi32, #tpu.memory_space<vmem>>
        %dma_wait3A_257 = tpu.memref_squeeze %dma_wait3A_256 : memref<1x32xi32, #tpu.memory_space<vmem>> -> memref<32xi32, #tpu.memory_space<vmem>>
        %dma_wait3A_258 = arith.constant 0 : i32
        %dma_wait3A_259 = arith.constant 0 : i32
        %dma_wait3A_260 = tpu.memref_slice %arg21[%dma_wait3A_258, %dma_wait3A_259] : memref<4096x256xf32, #tpu.memory_space<vmem_shared>> -> memref<4096x256xf32, #tpu.memory_space<vmem_shared>>
        tpu.wait_indirect_dma semaphore(%arg29 : memref<!tpu.dma_semaphore, #tpu.memory_space<semaphore_mem>>) src(%arg19 : memref<32x256xf32, #tpu.memory_space<vmem>>) dst(%dma_wait3A_260 : memref<4096x256xf32, #tpu.memory_space<vmem_shared>>)
        %add3A_261 = arith.constant 4 : i32
        %add3A_262 = arith.addi %add3A_235, %add3A_261 : i32
        %dma_start3A_263 = arith.constant 0 : i32
        %dma_start3A_264 = tpu.memref_slice %arg14[%add3A_262, %dma_start3A_263] : memref<128x32xi32, #tpu.memory_space<vmem>> -> memref<1x32xi32, #tpu.memory_space<vmem>>
        %dma_start3A_265 = tpu.memref_squeeze %dma_start3A_264 : memref<1x32xi32, #tpu.memory_space<vmem>> -> memref<32xi32, #tpu.memory_space<vmem>>
        %dma_start3A_266 = arith.constant 0 : i32
        %dma_start3A_267 = arith.constant 0 : i32
        %dma_start3A_268 = tpu.memref_slice %arg2[%dma_start3A_266, %dma_start3A_267] : memref<16384x256xf32, #tpu.memory_space<hbm>> -> memref<16384x256xf32, #tpu.memory_space<hbm>>
        tpu.enqueue_indirect_dma source(%dma_start3A_268 : memref<16384x256xf32, #tpu.memory_space<hbm>>) target(%arg19 : memref<32x256xf32, #tpu.memory_space<vmem>>) offsets(%dma_start3A_265 : memref<32xi32, #tpu.memory_space<vmem>>) semaphore(%arg25 : memref<!tpu.dma_semaphore, #tpu.memory_space<semaphore_mem>>)
      } else {
      }
    }
    %scan3A_53 = arith.constant 32 : i32
    %dma_wait3A = arith.constant 124 : i32
    %dma_wait3A_54 = arith.constant 0 : i32
    %dma_wait3A_55 = tpu.memref_slice %arg13[%dma_wait3A, %dma_wait3A_54] : memref<128x32xi32, #tpu.memory_space<vmem>> -> memref<1x32xi32, #tpu.memory_space<vmem>>
    %dma_wait3A_56 = tpu.memref_squeeze %dma_wait3A_55 : memref<1x32xi32, #tpu.memory_space<vmem>> -> memref<32xi32, #tpu.memory_space<vmem>>
    %dma_wait3A_57 = arith.constant 0 : i32
    %dma_wait3A_58 = arith.constant 0 : i32
    %dma_wait3A_59 = tpu.memref_slice %arg21[%dma_wait3A_57, %dma_wait3A_58] : memref<4096x256xf32, #tpu.memory_space<vmem_shared>> -> memref<4096x256xf32, #tpu.memory_space<vmem_shared>>
    tpu.wait_indirect_dma semaphore(%arg26 : memref<!tpu.dma_semaphore, #tpu.memory_space<semaphore_mem>>) src(%arg16 : memref<32x256xf32, #tpu.memory_space<vmem>>) dst(%dma_wait3A_59 : memref<4096x256xf32, #tpu.memory_space<vmem_shared>>)
    %dma_wait3A_60 = arith.constant 125 : i32
    %dma_wait3A_61 = arith.constant 0 : i32
    %dma_wait3A_62 = tpu.memref_slice %arg13[%dma_wait3A_60, %dma_wait3A_61] : memref<128x32xi32, #tpu.memory_space<vmem>> -> memref<1x32xi32, #tpu.memory_space<vmem>>
    %dma_wait3A_63 = tpu.memref_squeeze %dma_wait3A_62 : memref<1x32xi32, #tpu.memory_space<vmem>> -> memref<32xi32, #tpu.memory_space<vmem>>
    %dma_wait3A_64 = arith.constant 0 : i32
    %dma_wait3A_65 = arith.constant 0 : i32
    %dma_wait3A_66 = tpu.memref_slice %arg21[%dma_wait3A_64, %dma_wait3A_65] : memref<4096x256xf32, #tpu.memory_space<vmem_shared>> -> memref<4096x256xf32, #tpu.memory_space<vmem_shared>>
    tpu.wait_indirect_dma semaphore(%arg27 : memref<!tpu.dma_semaphore, #tpu.memory_space<semaphore_mem>>) src(%arg17 : memref<32x256xf32, #tpu.memory_space<vmem>>) dst(%dma_wait3A_66 : memref<4096x256xf32, #tpu.memory_space<vmem_shared>>)
    %dma_wait3A_67 = arith.constant 126 : i32
    %dma_wait3A_68 = arith.constant 0 : i32
    %dma_wait3A_69 = tpu.memref_slice %arg13[%dma_wait3A_67, %dma_wait3A_68] : memref<128x32xi32, #tpu.memory_space<vmem>> -> memref<1x32xi32, #tpu.memory_space<vmem>>
    %dma_wait3A_70 = tpu.memref_squeeze %dma_wait3A_69 : memref<1x32xi32, #tpu.memory_space<vmem>> -> memref<32xi32, #tpu.memory_space<vmem>>
    %dma_wait3A_71 = arith.constant 0 : i32
    %dma_wait3A_72 = arith.constant 0 : i32
    %dma_wait3A_73 = tpu.memref_slice %arg21[%dma_wait3A_71, %dma_wait3A_72] : memref<4096x256xf32, #tpu.memory_space<vmem_shared>> -> memref<4096x256xf32, #tpu.memory_space<vmem_shared>>
    tpu.wait_indirect_dma semaphore(%arg28 : memref<!tpu.dma_semaphore, #tpu.memory_space<semaphore_mem>>) src(%arg18 : memref<32x256xf32, #tpu.memory_space<vmem>>) dst(%dma_wait3A_73 : memref<4096x256xf32, #tpu.memory_space<vmem_shared>>)
    %dma_wait3A_74 = arith.constant 127 : i32
    %dma_wait3A_75 = arith.constant 0 : i32
    %dma_wait3A_76 = tpu.memref_slice %arg13[%dma_wait3A_74, %dma_wait3A_75] : memref<128x32xi32, #tpu.memory_space<vmem>> -> memref<1x32xi32, #tpu.memory_space<vmem>>
    %dma_wait3A_77 = tpu.memref_squeeze %dma_wait3A_76 : memref<1x32xi32, #tpu.memory_space<vmem>> -> memref<32xi32, #tpu.memory_space<vmem>>
    %dma_wait3A_78 = arith.constant 0 : i32
    %dma_wait3A_79 = arith.constant 0 : i32
    %dma_wait3A_80 = tpu.memref_slice %arg21[%dma_wait3A_78, %dma_wait3A_79] : memref<4096x256xf32, #tpu.memory_space<vmem_shared>> -> memref<4096x256xf32, #tpu.memory_space<vmem_shared>>
    tpu.wait_indirect_dma semaphore(%arg29 : memref<!tpu.dma_semaphore, #tpu.memory_space<semaphore_mem>>) src(%arg19 : memref<32x256xf32, #tpu.memory_space<vmem>>) dst(%dma_wait3A_80 : memref<4096x256xf32, #tpu.memory_space<vmem_shared>>)
    %barrier3A_81 = arith.constant 0 : index
    tpu.barrier barrier_id(%barrier3A_81)
    %eq3A = arith.constant 0 : i32
    %eq3A_82 = arith.cmpi eq, %arg0, %eq3A : i32
    %convert_element_type3A = arith.extui %eq3A_82 : i1 to i32
    %cond3A = arith.constant 0 : i32
    %cond3A_83 = arith.cmpi ne, %convert_element_type3A, %cond3A : i32
    scf.if %cond3A_83 {
      %mul3A_169 = arith.constant 256 : i32
      %mul3A_170 = arith.muli %arg1, %mul3A_169 : i32
      %mul3A_171 = arith.constant 256 : i32
      %mul3A_172 = arith.muli %arg1, %mul3A_171 : i32
      "tpu.region"() ({
        %run_scoped3A = tpu.sem_alloc : memref<!tpu.dma_semaphore, #tpu.memory_space<semaphore_mem>>
        %dma_start3A_173 = arith.constant 0 : i32
        %dma_start3A_174 = tpu.memref_slice %arg7[%mul3A_172, %dma_start3A_173] : memref<4096x256xf32, #tpu.memory_space<hbm>> -> memref<256x256xf32, #tpu.memory_space<hbm>>
        %dma_start3A_175 = arith.constant 0 : i32
        %dma_start3A_176 = tpu.memref_slice %arg21[%mul3A_170, %dma_start3A_175] : memref<4096x256xf32, #tpu.memory_space<vmem_shared>> -> memref<256x256xf32, #tpu.memory_space<vmem_shared>>
        tpu.enqueue_dma source(%dma_start3A_176 : memref<256x256xf32, #tpu.memory_space<vmem_shared>>) target(%dma_start3A_174 : memref<256x256xf32, #tpu.memory_space<hbm>>) target_semaphore(%run_scoped3A : memref<!tpu.dma_semaphore, #tpu.memory_space<semaphore_mem>>)
        %dma_wait3A_177 = arith.constant 0 : i32
        %dma_wait3A_178 = tpu.memref_slice %arg7[%mul3A_172, %dma_wait3A_177] : memref<4096x256xf32, #tpu.memory_space<hbm>> -> memref<256x256xf32, #tpu.memory_space<hbm>>
        %dma_wait3A_179 = arith.constant 0 : i32
        %dma_wait3A_180 = tpu.memref_slice %arg21[%mul3A_170, %dma_wait3A_179] : memref<4096x256xf32, #tpu.memory_space<vmem_shared>> -> memref<256x256xf32, #tpu.memory_space<vmem_shared>>
        tpu.wait_dma2 semaphore(%run_scoped3A : memref<!tpu.dma_semaphore, #tpu.memory_space<semaphore_mem>>) src(%dma_wait3A_180 : memref<256x256xf32, #tpu.memory_space<vmem_shared>>) dst(%dma_wait3A_178 : memref<256x256xf32, #tpu.memory_space<hbm>>)
        tpu.yield
      }) : () -> ()
    } else {
    }
    %eq3A_84 = arith.constant 1 : i32
    %eq3A_85 = arith.cmpi eq, %arg0, %eq3A_84 : i32
    %convert_element_type3A_86 = arith.extui %eq3A_85 : i1 to i32
    %cond3A_87 = arith.constant 0 : i32
    %cond3A_88 = arith.cmpi ne, %convert_element_type3A_86, %cond3A_87 : i32
    scf.if %cond3A_88 {
      %mul3A_169 = arith.constant 256 : i32
      %mul3A_170 = arith.muli %arg1, %mul3A_169 : i32
      %mul3A_171 = arith.constant 256 : i32
      %mul3A_172 = arith.muli %arg1, %mul3A_171 : i32
      "tpu.region"() ({
        %run_scoped3A = tpu.sem_alloc : memref<!tpu.dma_semaphore, #tpu.memory_space<semaphore_mem>>
        %dma_start3A_173 = arith.constant 0 : i32
        %dma_start3A_174 = tpu.memref_slice %arg8[%mul3A_172, %dma_start3A_173] : memref<4096x256xf32, #tpu.memory_space<hbm>> -> memref<256x256xf32, #tpu.memory_space<hbm>>
        %dma_start3A_175 = arith.constant 0 : i32
        %dma_start3A_176 = tpu.memref_slice %arg21[%mul3A_170, %dma_start3A_175] : memref<4096x256xf32, #tpu.memory_space<vmem_shared>> -> memref<256x256xf32, #tpu.memory_space<vmem_shared>>
        tpu.enqueue_dma source(%dma_start3A_176 : memref<256x256xf32, #tpu.memory_space<vmem_shared>>) target(%dma_start3A_174 : memref<256x256xf32, #tpu.memory_space<hbm>>) target_semaphore(%run_scoped3A : memref<!tpu.dma_semaphore, #tpu.memory_space<semaphore_mem>>)
        %dma_wait3A_177 = arith.constant 0 : i32
        %dma_wait3A_178 = tpu.memref_slice %arg8[%mul3A_172, %dma_wait3A_177] : memref<4096x256xf32, #tpu.memory_space<hbm>> -> memref<256x256xf32, #tpu.memory_space<hbm>>
        %dma_wait3A_179 = arith.constant 0 : i32
        %dma_wait3A_180 = tpu.memref_slice %arg21[%mul3A_170, %dma_wait3A_179] : memref<4096x256xf32, #tpu.memory_space<vmem_shared>> -> memref<256x256xf32, #tpu.memory_space<vmem_shared>>
        tpu.wait_dma2 semaphore(%run_scoped3A : memref<!tpu.dma_semaphore, #tpu.memory_space<semaphore_mem>>) src(%dma_wait3A_180 : memref<256x256xf32, #tpu.memory_space<vmem_shared>>) dst(%dma_wait3A_178 : memref<256x256xf32, #tpu.memory_space<hbm>>)
        tpu.yield
      }) : () -> ()
    } else {
    }
    %barrier3A_89 = arith.constant 0 : index
    tpu.barrier barrier_id(%barrier3A_89)
    %mul3A_90 = arith.constant 256 : i32
    %mul3A_91 = arith.muli %arg1, %mul3A_90 : i32
    %mul3A_92 = arith.constant 256 : i32
    %mul3A_93 = arith.muli %arg1, %mul3A_92 : i32
    "tpu.region"() ({
      %run_scoped3A = tpu.sem_alloc : memref<!tpu.dma_semaphore, #tpu.memory_space<semaphore_mem>>
      %dma_start3A_169 = arith.constant 0 : i32
      %dma_start3A_170 = tpu.memref_slice %arg21[%mul3A_93, %dma_start3A_169] : memref<4096x256xf32, #tpu.memory_space<vmem_shared>> -> memref<256x256xf32, #tpu.memory_space<vmem_shared>>
      %dma_start3A_171 = arith.constant 0 : i32
      %dma_start3A_172 = tpu.memref_slice %arg5[%mul3A_91, %dma_start3A_171] : memref<4096x256xf32, #tpu.memory_space<hbm>> -> memref<256x256xf32, #tpu.memory_space<hbm>>
      tpu.enqueue_dma source(%dma_start3A_172 : memref<256x256xf32, #tpu.memory_space<hbm>>) target(%dma_start3A_170 : memref<256x256xf32, #tpu.memory_space<vmem_shared>>) target_semaphore(%run_scoped3A : memref<!tpu.dma_semaphore, #tpu.memory_space<semaphore_mem>>)
      %dma_wait3A_173 = arith.constant 0 : i32
      %dma_wait3A_174 = tpu.memref_slice %arg21[%mul3A_93, %dma_wait3A_173] : memref<4096x256xf32, #tpu.memory_space<vmem_shared>> -> memref<256x256xf32, #tpu.memory_space<vmem_shared>>
      %dma_wait3A_175 = arith.constant 0 : i32
      %dma_wait3A_176 = tpu.memref_slice %arg5[%mul3A_91, %dma_wait3A_175] : memref<4096x256xf32, #tpu.memory_space<hbm>> -> memref<256x256xf32, #tpu.memory_space<hbm>>
      tpu.wait_dma2 semaphore(%run_scoped3A : memref<!tpu.dma_semaphore, #tpu.memory_space<semaphore_mem>>) src(%dma_wait3A_176 : memref<256x256xf32, #tpu.memory_space<hbm>>) dst(%dma_wait3A_174 : memref<256x256xf32, #tpu.memory_space<vmem_shared>>)
      tpu.yield
    }) : () -> ()
    %barrier3A_94 = arith.constant 0 : index
    tpu.barrier barrier_id(%barrier3A_94)
    %dma_start3A_95 = arith.constant 0 : i32
    %dma_start3A_96 = arith.constant 0 : i32
    %dma_start3A_97 = tpu.memref_slice %arg15[%dma_start3A_95, %dma_start3A_96] : memref<128x32xi32, #tpu.memory_space<vmem>> -> memref<1x32xi32, #tpu.memory_space<vmem>>
    %dma_start3A_98 = tpu.memref_squeeze %dma_start3A_97 : memref<1x32xi32, #tpu.memory_space<vmem>> -> memref<32xi32, #tpu.memory_space<vmem>>
    %dma_start3A_99 = arith.constant 0 : i32
    %dma_start3A_100 = arith.constant 0 : i32
    %dma_start3A_101 = tpu.memref_slice %arg2[%dma_start3A_99, %dma_start3A_100] : memref<16384x256xf32, #tpu.memory_space<hbm>> -> memref<16384x256xf32, #tpu.memory_space<hbm>>
    tpu.enqueue_indirect_dma source(%dma_start3A_101 : memref<16384x256xf32, #tpu.memory_space<hbm>>) target(%arg16 : memref<32x256xf32, #tpu.memory_space<vmem>>) offsets(%dma_start3A_98 : memref<32xi32, #tpu.memory_space<vmem>>) semaphore(%arg22 : memref<!tpu.dma_semaphore, #tpu.memory_space<semaphore_mem>>)
    %dma_start3A_102 = arith.constant 1 : i32
    %dma_start3A_103 = arith.constant 0 : i32
    %dma_start3A_104 = tpu.memref_slice %arg15[%dma_start3A_102, %dma_start3A_103] : memref<128x32xi32, #tpu.memory_space<vmem>> -> memref<1x32xi32, #tpu.memory_space<vmem>>
    %dma_start3A_105 = tpu.memref_squeeze %dma_start3A_104 : memref<1x32xi32, #tpu.memory_space<vmem>> -> memref<32xi32, #tpu.memory_space<vmem>>
    %dma_start3A_106 = arith.constant 0 : i32
    %dma_start3A_107 = arith.constant 0 : i32
    %dma_start3A_108 = tpu.memref_slice %arg2[%dma_start3A_106, %dma_start3A_107] : memref<16384x256xf32, #tpu.memory_space<hbm>> -> memref<16384x256xf32, #tpu.memory_space<hbm>>
    tpu.enqueue_indirect_dma source(%dma_start3A_108 : memref<16384x256xf32, #tpu.memory_space<hbm>>) target(%arg17 : memref<32x256xf32, #tpu.memory_space<vmem>>) offsets(%dma_start3A_105 : memref<32xi32, #tpu.memory_space<vmem>>) semaphore(%arg23 : memref<!tpu.dma_semaphore, #tpu.memory_space<semaphore_mem>>)
    %dma_start3A_109 = arith.constant 2 : i32
    %dma_start3A_110 = arith.constant 0 : i32
    %dma_start3A_111 = tpu.memref_slice %arg15[%dma_start3A_109, %dma_start3A_110] : memref<128x32xi32, #tpu.memory_space<vmem>> -> memref<1x32xi32, #tpu.memory_space<vmem>>
    %dma_start3A_112 = tpu.memref_squeeze %dma_start3A_111 : memref<1x32xi32, #tpu.memory_space<vmem>> -> memref<32xi32, #tpu.memory_space<vmem>>
    %dma_start3A_113 = arith.constant 0 : i32
    %dma_start3A_114 = arith.constant 0 : i32
    %dma_start3A_115 = tpu.memref_slice %arg2[%dma_start3A_113, %dma_start3A_114] : memref<16384x256xf32, #tpu.memory_space<hbm>> -> memref<16384x256xf32, #tpu.memory_space<hbm>>
    tpu.enqueue_indirect_dma source(%dma_start3A_115 : memref<16384x256xf32, #tpu.memory_space<hbm>>) target(%arg18 : memref<32x256xf32, #tpu.memory_space<vmem>>) offsets(%dma_start3A_112 : memref<32xi32, #tpu.memory_space<vmem>>) semaphore(%arg24 : memref<!tpu.dma_semaphore, #tpu.memory_space<semaphore_mem>>)
    %dma_start3A_116 = arith.constant 3 : i32
    %dma_start3A_117 = arith.constant 0 : i32
    %dma_start3A_118 = tpu.memref_slice %arg15[%dma_start3A_116, %dma_start3A_117] : memref<128x32xi32, #tpu.memory_space<vmem>> -> memref<1x32xi32, #tpu.memory_space<vmem>>
    %dma_start3A_119 = tpu.memref_squeeze %dma_start3A_118 : memref<1x32xi32, #tpu.memory_space<vmem>> -> memref<32xi32, #tpu.memory_space<vmem>>
    %dma_start3A_120 = arith.constant 0 : i32
    %dma_start3A_121 = arith.constant 0 : i32
    %dma_start3A_122 = tpu.memref_slice %arg2[%dma_start3A_120, %dma_start3A_121] : memref<16384x256xf32, #tpu.memory_space<hbm>> -> memref<16384x256xf32, #tpu.memory_space<hbm>>
    tpu.enqueue_indirect_dma source(%dma_start3A_122 : memref<16384x256xf32, #tpu.memory_space<hbm>>) target(%arg19 : memref<32x256xf32, #tpu.memory_space<vmem>>) offsets(%dma_start3A_119 : memref<32xi32, #tpu.memory_space<vmem>>) semaphore(%arg25 : memref<!tpu.dma_semaphore, #tpu.memory_space<semaphore_mem>>)
    %scan3A_123 = arith.constant 0 : i32
    %scan3A_124 = arith.constant 0 : i32
    %scan3A_125 = arith.constant 32 : i32
    %scan3A_126 = arith.addi %scan3A_124, %scan3A_125 : i32
    %scan3A_127 = arith.constant 1 : i32
    scf.for %scan3A_169 = %scan3A_124 to %scan3A_126 step %scan3A_127  : i32 {
      %mul3A_170 = arith.constant 4 : i32
      %mul3A_171 = arith.muli %scan3A_169, %mul3A_170 : i32
      %add3A_172 = arith.constant 0 : i32
      %add3A_173 = arith.addi %mul3A_171, %add3A_172 : i32
      %dma_wait3A_174 = arith.constant 0 : i32
      %dma_wait3A_175 = tpu.memref_slice %arg15[%add3A_173, %dma_wait3A_174] : memref<128x32xi32, #tpu.memory_space<vmem>> -> memref<1x32xi32, #tpu.memory_space<vmem>>
      %dma_wait3A_176 = tpu.memref_squeeze %dma_wait3A_175 : memref<1x32xi32, #tpu.memory_space<vmem>> -> memref<32xi32, #tpu.memory_space<vmem>>
      %dma_wait3A_177 = arith.constant 0 : i32
      %dma_wait3A_178 = arith.constant 0 : i32
      %dma_wait3A_179 = tpu.memref_slice %arg2[%dma_wait3A_177, %dma_wait3A_178] : memref<16384x256xf32, #tpu.memory_space<hbm>> -> memref<16384x256xf32, #tpu.memory_space<hbm>>
      tpu.wait_indirect_dma semaphore(%arg22 : memref<!tpu.dma_semaphore, #tpu.memory_space<semaphore_mem>>) src(%dma_wait3A_179 : memref<16384x256xf32, #tpu.memory_space<hbm>>) dst(%arg16 : memref<32x256xf32, #tpu.memory_space<vmem>>)
      %dma_start3A_180 = arith.constant 0 : i32
      %dma_start3A_181 = tpu.memref_slice %arg13[%add3A_173, %dma_start3A_180] : memref<128x32xi32, #tpu.memory_space<vmem>> -> memref<1x32xi32, #tpu.memory_space<vmem>>
      %dma_start3A_182 = tpu.memref_squeeze %dma_start3A_181 : memref<1x32xi32, #tpu.memory_space<vmem>> -> memref<32xi32, #tpu.memory_space<vmem>>
      %dma_start3A_183 = arith.constant 0 : i32
      %dma_start3A_184 = arith.constant 0 : i32
      %dma_start3A_185 = tpu.memref_slice %arg21[%dma_start3A_183, %dma_start3A_184] : memref<4096x256xf32, #tpu.memory_space<vmem_shared>> -> memref<4096x256xf32, #tpu.memory_space<vmem_shared>>
      tpu.enqueue_indirect_dma source(%arg16 : memref<32x256xf32, #tpu.memory_space<vmem>>) target(%dma_start3A_185 : memref<4096x256xf32, #tpu.memory_space<vmem_shared>>) offsets(%dma_start3A_182 : memref<32xi32, #tpu.memory_space<vmem>>) semaphore(%arg26 : memref<!tpu.dma_semaphore, #tpu.memory_space<semaphore_mem>>) {add = true}
      %add3A_186 = arith.constant 4 : i32
      %add3A_187 = arith.addi %add3A_173, %add3A_186 : i32
      %lt3A = arith.constant 128 : i32
      %lt3A_188 = arith.cmpi slt, %add3A_187, %lt3A : i32
      %convert_element_type3A_189 = arith.extui %lt3A_188 : i1 to i32
      %cond3A_190 = arith.constant 0 : i32
      %cond3A_191 = arith.cmpi ne, %convert_element_type3A_189, %cond3A_190 : i32
      scf.if %cond3A_191 {
        %dma_wait3A_255 = arith.constant 0 : i32
        %dma_wait3A_256 = tpu.memref_slice %arg13[%add3A_173, %dma_wait3A_255] : memref<128x32xi32, #tpu.memory_space<vmem>> -> memref<1x32xi32, #tpu.memory_space<vmem>>
        %dma_wait3A_257 = tpu.memref_squeeze %dma_wait3A_256 : memref<1x32xi32, #tpu.memory_space<vmem>> -> memref<32xi32, #tpu.memory_space<vmem>>
        %dma_wait3A_258 = arith.constant 0 : i32
        %dma_wait3A_259 = arith.constant 0 : i32
        %dma_wait3A_260 = tpu.memref_slice %arg21[%dma_wait3A_258, %dma_wait3A_259] : memref<4096x256xf32, #tpu.memory_space<vmem_shared>> -> memref<4096x256xf32, #tpu.memory_space<vmem_shared>>
        tpu.wait_indirect_dma semaphore(%arg26 : memref<!tpu.dma_semaphore, #tpu.memory_space<semaphore_mem>>) src(%arg16 : memref<32x256xf32, #tpu.memory_space<vmem>>) dst(%dma_wait3A_260 : memref<4096x256xf32, #tpu.memory_space<vmem_shared>>)
        %add3A_261 = arith.constant 4 : i32
        %add3A_262 = arith.addi %add3A_173, %add3A_261 : i32
        %dma_start3A_263 = arith.constant 0 : i32
        %dma_start3A_264 = tpu.memref_slice %arg15[%add3A_262, %dma_start3A_263] : memref<128x32xi32, #tpu.memory_space<vmem>> -> memref<1x32xi32, #tpu.memory_space<vmem>>
        %dma_start3A_265 = tpu.memref_squeeze %dma_start3A_264 : memref<1x32xi32, #tpu.memory_space<vmem>> -> memref<32xi32, #tpu.memory_space<vmem>>
        %dma_start3A_266 = arith.constant 0 : i32
        %dma_start3A_267 = arith.constant 0 : i32
        %dma_start3A_268 = tpu.memref_slice %arg2[%dma_start3A_266, %dma_start3A_267] : memref<16384x256xf32, #tpu.memory_space<hbm>> -> memref<16384x256xf32, #tpu.memory_space<hbm>>
        tpu.enqueue_indirect_dma source(%dma_start3A_268 : memref<16384x256xf32, #tpu.memory_space<hbm>>) target(%arg16 : memref<32x256xf32, #tpu.memory_space<vmem>>) offsets(%dma_start3A_265 : memref<32xi32, #tpu.memory_space<vmem>>) semaphore(%arg22 : memref<!tpu.dma_semaphore, #tpu.memory_space<semaphore_mem>>)
      } else {
      }
      %add3A_192 = arith.constant 1 : i32
      %add3A_193 = arith.addi %mul3A_171, %add3A_192 : i32
      %dma_wait3A_194 = arith.constant 0 : i32
      %dma_wait3A_195 = tpu.memref_slice %arg15[%add3A_193, %dma_wait3A_194] : memref<128x32xi32, #tpu.memory_space<vmem>> -> memref<1x32xi32, #tpu.memory_space<vmem>>
      %dma_wait3A_196 = tpu.memref_squeeze %dma_wait3A_195 : memref<1x32xi32, #tpu.memory_space<vmem>> -> memref<32xi32, #tpu.memory_space<vmem>>
      %dma_wait3A_197 = arith.constant 0 : i32
      %dma_wait3A_198 = arith.constant 0 : i32
      %dma_wait3A_199 = tpu.memref_slice %arg2[%dma_wait3A_197, %dma_wait3A_198] : memref<16384x256xf32, #tpu.memory_space<hbm>> -> memref<16384x256xf32, #tpu.memory_space<hbm>>
      tpu.wait_indirect_dma semaphore(%arg23 : memref<!tpu.dma_semaphore, #tpu.memory_space<semaphore_mem>>) src(%dma_wait3A_199 : memref<16384x256xf32, #tpu.memory_space<hbm>>) dst(%arg17 : memref<32x256xf32, #tpu.memory_space<vmem>>)
      %dma_start3A_200 = arith.constant 0 : i32
      %dma_start3A_201 = tpu.memref_slice %arg13[%add3A_193, %dma_start3A_200] : memref<128x32xi32, #tpu.memory_space<vmem>> -> memref<1x32xi32, #tpu.memory_space<vmem>>
      %dma_start3A_202 = tpu.memref_squeeze %dma_start3A_201 : memref<1x32xi32, #tpu.memory_space<vmem>> -> memref<32xi32, #tpu.memory_space<vmem>>
      %dma_start3A_203 = arith.constant 0 : i32
      %dma_start3A_204 = arith.constant 0 : i32
      %dma_start3A_205 = tpu.memref_slice %arg21[%dma_start3A_203, %dma_start3A_204] : memref<4096x256xf32, #tpu.memory_space<vmem_shared>> -> memref<4096x256xf32, #tpu.memory_space<vmem_shared>>
      tpu.enqueue_indirect_dma source(%arg17 : memref<32x256xf32, #tpu.memory_space<vmem>>) target(%dma_start3A_205 : memref<4096x256xf32, #tpu.memory_space<vmem_shared>>) offsets(%dma_start3A_202 : memref<32xi32, #tpu.memory_space<vmem>>) semaphore(%arg27 : memref<!tpu.dma_semaphore, #tpu.memory_space<semaphore_mem>>) {add = true}
      %add3A_206 = arith.constant 4 : i32
      %add3A_207 = arith.addi %add3A_193, %add3A_206 : i32
      %lt3A_208 = arith.constant 128 : i32
      %lt3A_209 = arith.cmpi slt, %add3A_207, %lt3A_208 : i32
      %convert_element_type3A_210 = arith.extui %lt3A_209 : i1 to i32
      %cond3A_211 = arith.constant 0 : i32
      %cond3A_212 = arith.cmpi ne, %convert_element_type3A_210, %cond3A_211 : i32
      scf.if %cond3A_212 {
        %dma_wait3A_255 = arith.constant 0 : i32
        %dma_wait3A_256 = tpu.memref_slice %arg13[%add3A_193, %dma_wait3A_255] : memref<128x32xi32, #tpu.memory_space<vmem>> -> memref<1x32xi32, #tpu.memory_space<vmem>>
        %dma_wait3A_257 = tpu.memref_squeeze %dma_wait3A_256 : memref<1x32xi32, #tpu.memory_space<vmem>> -> memref<32xi32, #tpu.memory_space<vmem>>
        %dma_wait3A_258 = arith.constant 0 : i32
        %dma_wait3A_259 = arith.constant 0 : i32
        %dma_wait3A_260 = tpu.memref_slice %arg21[%dma_wait3A_258, %dma_wait3A_259] : memref<4096x256xf32, #tpu.memory_space<vmem_shared>> -> memref<4096x256xf32, #tpu.memory_space<vmem_shared>>
        tpu.wait_indirect_dma semaphore(%arg27 : memref<!tpu.dma_semaphore, #tpu.memory_space<semaphore_mem>>) src(%arg17 : memref<32x256xf32, #tpu.memory_space<vmem>>) dst(%dma_wait3A_260 : memref<4096x256xf32, #tpu.memory_space<vmem_shared>>)
        %add3A_261 = arith.constant 4 : i32
        %add3A_262 = arith.addi %add3A_193, %add3A_261 : i32
        %dma_start3A_263 = arith.constant 0 : i32
        %dma_start3A_264 = tpu.memref_slice %arg15[%add3A_262, %dma_start3A_263] : memref<128x32xi32, #tpu.memory_space<vmem>> -> memref<1x32xi32, #tpu.memory_space<vmem>>
        %dma_start3A_265 = tpu.memref_squeeze %dma_start3A_264 : memref<1x32xi32, #tpu.memory_space<vmem>> -> memref<32xi32, #tpu.memory_space<vmem>>
        %dma_start3A_266 = arith.constant 0 : i32
        %dma_start3A_267 = arith.constant 0 : i32
        %dma_start3A_268 = tpu.memref_slice %arg2[%dma_start3A_266, %dma_start3A_267] : memref<16384x256xf32, #tpu.memory_space<hbm>> -> memref<16384x256xf32, #tpu.memory_space<hbm>>
        tpu.enqueue_indirect_dma source(%dma_start3A_268 : memref<16384x256xf32, #tpu.memory_space<hbm>>) target(%arg17 : memref<32x256xf32, #tpu.memory_space<vmem>>) offsets(%dma_start3A_265 : memref<32xi32, #tpu.memory_space<vmem>>) semaphore(%arg23 : memref<!tpu.dma_semaphore, #tpu.memory_space<semaphore_mem>>)
      } else {
      }
      %add3A_213 = arith.constant 2 : i32
      %add3A_214 = arith.addi %mul3A_171, %add3A_213 : i32
      %dma_wait3A_215 = arith.constant 0 : i32
      %dma_wait3A_216 = tpu.memref_slice %arg15[%add3A_214, %dma_wait3A_215] : memref<128x32xi32, #tpu.memory_space<vmem>> -> memref<1x32xi32, #tpu.memory_space<vmem>>
      %dma_wait3A_217 = tpu.memref_squeeze %dma_wait3A_216 : memref<1x32xi32, #tpu.memory_space<vmem>> -> memref<32xi32, #tpu.memory_space<vmem>>
      %dma_wait3A_218 = arith.constant 0 : i32
      %dma_wait3A_219 = arith.constant 0 : i32
      %dma_wait3A_220 = tpu.memref_slice %arg2[%dma_wait3A_218, %dma_wait3A_219] : memref<16384x256xf32, #tpu.memory_space<hbm>> -> memref<16384x256xf32, #tpu.memory_space<hbm>>
      tpu.wait_indirect_dma semaphore(%arg24 : memref<!tpu.dma_semaphore, #tpu.memory_space<semaphore_mem>>) src(%dma_wait3A_220 : memref<16384x256xf32, #tpu.memory_space<hbm>>) dst(%arg18 : memref<32x256xf32, #tpu.memory_space<vmem>>)
      %dma_start3A_221 = arith.constant 0 : i32
      %dma_start3A_222 = tpu.memref_slice %arg13[%add3A_214, %dma_start3A_221] : memref<128x32xi32, #tpu.memory_space<vmem>> -> memref<1x32xi32, #tpu.memory_space<vmem>>
      %dma_start3A_223 = tpu.memref_squeeze %dma_start3A_222 : memref<1x32xi32, #tpu.memory_space<vmem>> -> memref<32xi32, #tpu.memory_space<vmem>>
      %dma_start3A_224 = arith.constant 0 : i32
      %dma_start3A_225 = arith.constant 0 : i32
      %dma_start3A_226 = tpu.memref_slice %arg21[%dma_start3A_224, %dma_start3A_225] : memref<4096x256xf32, #tpu.memory_space<vmem_shared>> -> memref<4096x256xf32, #tpu.memory_space<vmem_shared>>
      tpu.enqueue_indirect_dma source(%arg18 : memref<32x256xf32, #tpu.memory_space<vmem>>) target(%dma_start3A_226 : memref<4096x256xf32, #tpu.memory_space<vmem_shared>>) offsets(%dma_start3A_223 : memref<32xi32, #tpu.memory_space<vmem>>) semaphore(%arg28 : memref<!tpu.dma_semaphore, #tpu.memory_space<semaphore_mem>>) {add = true}
      %add3A_227 = arith.constant 4 : i32
      %add3A_228 = arith.addi %add3A_214, %add3A_227 : i32
      %lt3A_229 = arith.constant 128 : i32
      %lt3A_230 = arith.cmpi slt, %add3A_228, %lt3A_229 : i32
      %convert_element_type3A_231 = arith.extui %lt3A_230 : i1 to i32
      %cond3A_232 = arith.constant 0 : i32
      %cond3A_233 = arith.cmpi ne, %convert_element_type3A_231, %cond3A_232 : i32
      scf.if %cond3A_233 {
        %dma_wait3A_255 = arith.constant 0 : i32
        %dma_wait3A_256 = tpu.memref_slice %arg13[%add3A_214, %dma_wait3A_255] : memref<128x32xi32, #tpu.memory_space<vmem>> -> memref<1x32xi32, #tpu.memory_space<vmem>>
        %dma_wait3A_257 = tpu.memref_squeeze %dma_wait3A_256 : memref<1x32xi32, #tpu.memory_space<vmem>> -> memref<32xi32, #tpu.memory_space<vmem>>
        %dma_wait3A_258 = arith.constant 0 : i32
        %dma_wait3A_259 = arith.constant 0 : i32
        %dma_wait3A_260 = tpu.memref_slice %arg21[%dma_wait3A_258, %dma_wait3A_259] : memref<4096x256xf32, #tpu.memory_space<vmem_shared>> -> memref<4096x256xf32, #tpu.memory_space<vmem_shared>>
        tpu.wait_indirect_dma semaphore(%arg28 : memref<!tpu.dma_semaphore, #tpu.memory_space<semaphore_mem>>) src(%arg18 : memref<32x256xf32, #tpu.memory_space<vmem>>) dst(%dma_wait3A_260 : memref<4096x256xf32, #tpu.memory_space<vmem_shared>>)
        %add3A_261 = arith.constant 4 : i32
        %add3A_262 = arith.addi %add3A_214, %add3A_261 : i32
        %dma_start3A_263 = arith.constant 0 : i32
        %dma_start3A_264 = tpu.memref_slice %arg15[%add3A_262, %dma_start3A_263] : memref<128x32xi32, #tpu.memory_space<vmem>> -> memref<1x32xi32, #tpu.memory_space<vmem>>
        %dma_start3A_265 = tpu.memref_squeeze %dma_start3A_264 : memref<1x32xi32, #tpu.memory_space<vmem>> -> memref<32xi32, #tpu.memory_space<vmem>>
        %dma_start3A_266 = arith.constant 0 : i32
        %dma_start3A_267 = arith.constant 0 : i32
        %dma_start3A_268 = tpu.memref_slice %arg2[%dma_start3A_266, %dma_start3A_267] : memref<16384x256xf32, #tpu.memory_space<hbm>> -> memref<16384x256xf32, #tpu.memory_space<hbm>>
        tpu.enqueue_indirect_dma source(%dma_start3A_268 : memref<16384x256xf32, #tpu.memory_space<hbm>>) target(%arg18 : memref<32x256xf32, #tpu.memory_space<vmem>>) offsets(%dma_start3A_265 : memref<32xi32, #tpu.memory_space<vmem>>) semaphore(%arg24 : memref<!tpu.dma_semaphore, #tpu.memory_space<semaphore_mem>>)
      } else {
      }
      %add3A_234 = arith.constant 3 : i32
      %add3A_235 = arith.addi %mul3A_171, %add3A_234 : i32
      %dma_wait3A_236 = arith.constant 0 : i32
      %dma_wait3A_237 = tpu.memref_slice %arg15[%add3A_235, %dma_wait3A_236] : memref<128x32xi32, #tpu.memory_space<vmem>> -> memref<1x32xi32, #tpu.memory_space<vmem>>
      %dma_wait3A_238 = tpu.memref_squeeze %dma_wait3A_237 : memref<1x32xi32, #tpu.memory_space<vmem>> -> memref<32xi32, #tpu.memory_space<vmem>>
      %dma_wait3A_239 = arith.constant 0 : i32
      %dma_wait3A_240 = arith.constant 0 : i32
      %dma_wait3A_241 = tpu.memref_slice %arg2[%dma_wait3A_239, %dma_wait3A_240] : memref<16384x256xf32, #tpu.memory_space<hbm>> -> memref<16384x256xf32, #tpu.memory_space<hbm>>
      tpu.wait_indirect_dma semaphore(%arg25 : memref<!tpu.dma_semaphore, #tpu.memory_space<semaphore_mem>>) src(%dma_wait3A_241 : memref<16384x256xf32, #tpu.memory_space<hbm>>) dst(%arg19 : memref<32x256xf32, #tpu.memory_space<vmem>>)
      %dma_start3A_242 = arith.constant 0 : i32
      %dma_start3A_243 = tpu.memref_slice %arg13[%add3A_235, %dma_start3A_242] : memref<128x32xi32, #tpu.memory_space<vmem>> -> memref<1x32xi32, #tpu.memory_space<vmem>>
      %dma_start3A_244 = tpu.memref_squeeze %dma_start3A_243 : memref<1x32xi32, #tpu.memory_space<vmem>> -> memref<32xi32, #tpu.memory_space<vmem>>
      %dma_start3A_245 = arith.constant 0 : i32
      %dma_start3A_246 = arith.constant 0 : i32
      %dma_start3A_247 = tpu.memref_slice %arg21[%dma_start3A_245, %dma_start3A_246] : memref<4096x256xf32, #tpu.memory_space<vmem_shared>> -> memref<4096x256xf32, #tpu.memory_space<vmem_shared>>
      tpu.enqueue_indirect_dma source(%arg19 : memref<32x256xf32, #tpu.memory_space<vmem>>) target(%dma_start3A_247 : memref<4096x256xf32, #tpu.memory_space<vmem_shared>>) offsets(%dma_start3A_244 : memref<32xi32, #tpu.memory_space<vmem>>) semaphore(%arg29 : memref<!tpu.dma_semaphore, #tpu.memory_space<semaphore_mem>>) {add = true}
      %add3A_248 = arith.constant 4 : i32
      %add3A_249 = arith.addi %add3A_235, %add3A_248 : i32
      %lt3A_250 = arith.constant 128 : i32
      %lt3A_251 = arith.cmpi slt, %add3A_249, %lt3A_250 : i32
      %convert_element_type3A_252 = arith.extui %lt3A_251 : i1 to i32
      %cond3A_253 = arith.constant 0 : i32
      %cond3A_254 = arith.cmpi ne, %convert_element_type3A_252, %cond3A_253 : i32
      scf.if %cond3A_254 {
        %dma_wait3A_255 = arith.constant 0 : i32
        %dma_wait3A_256 = tpu.memref_slice %arg13[%add3A_235, %dma_wait3A_255] : memref<128x32xi32, #tpu.memory_space<vmem>> -> memref<1x32xi32, #tpu.memory_space<vmem>>
        %dma_wait3A_257 = tpu.memref_squeeze %dma_wait3A_256 : memref<1x32xi32, #tpu.memory_space<vmem>> -> memref<32xi32, #tpu.memory_space<vmem>>
        %dma_wait3A_258 = arith.constant 0 : i32
        %dma_wait3A_259 = arith.constant 0 : i32
        %dma_wait3A_260 = tpu.memref_slice %arg21[%dma_wait3A_258, %dma_wait3A_259] : memref<4096x256xf32, #tpu.memory_space<vmem_shared>> -> memref<4096x256xf32, #tpu.memory_space<vmem_shared>>
        tpu.wait_indirect_dma semaphore(%arg29 : memref<!tpu.dma_semaphore, #tpu.memory_space<semaphore_mem>>) src(%arg19 : memref<32x256xf32, #tpu.memory_space<vmem>>) dst(%dma_wait3A_260 : memref<4096x256xf32, #tpu.memory_space<vmem_shared>>)
        %add3A_261 = arith.constant 4 : i32
        %add3A_262 = arith.addi %add3A_235, %add3A_261 : i32
        %dma_start3A_263 = arith.constant 0 : i32
        %dma_start3A_264 = tpu.memref_slice %arg15[%add3A_262, %dma_start3A_263] : memref<128x32xi32, #tpu.memory_space<vmem>> -> memref<1x32xi32, #tpu.memory_space<vmem>>
        %dma_start3A_265 = tpu.memref_squeeze %dma_start3A_264 : memref<1x32xi32, #tpu.memory_space<vmem>> -> memref<32xi32, #tpu.memory_space<vmem>>
        %dma_start3A_266 = arith.constant 0 : i32
        %dma_start3A_267 = arith.constant 0 : i32
        %dma_start3A_268 = tpu.memref_slice %arg2[%dma_start3A_266, %dma_start3A_267] : memref<16384x256xf32, #tpu.memory_space<hbm>> -> memref<16384x256xf32, #tpu.memory_space<hbm>>
        tpu.enqueue_indirect_dma source(%dma_start3A_268 : memref<16384x256xf32, #tpu.memory_space<hbm>>) target(%arg19 : memref<32x256xf32, #tpu.memory_space<vmem>>) offsets(%dma_start3A_265 : memref<32xi32, #tpu.memory_space<vmem>>) semaphore(%arg25 : memref<!tpu.dma_semaphore, #tpu.memory_space<semaphore_mem>>)
      } else {
      }
    }
    %scan3A_128 = arith.constant 32 : i32
    %dma_wait3A_129 = arith.constant 124 : i32
    %dma_wait3A_130 = arith.constant 0 : i32
    %dma_wait3A_131 = tpu.memref_slice %arg13[%dma_wait3A_129, %dma_wait3A_130] : memref<128x32xi32, #tpu.memory_space<vmem>> -> memref<1x32xi32, #tpu.memory_space<vmem>>
    %dma_wait3A_132 = tpu.memref_squeeze %dma_wait3A_131 : memref<1x32xi32, #tpu.memory_space<vmem>> -> memref<32xi32, #tpu.memory_space<vmem>>
    %dma_wait3A_133 = arith.constant 0 : i32
    %dma_wait3A_134 = arith.constant 0 : i32
    %dma_wait3A_135 = tpu.memref_slice %arg21[%dma_wait3A_133, %dma_wait3A_134] : memref<4096x256xf32, #tpu.memory_space<vmem_shared>> -> memref<4096x256xf32, #tpu.memory_space<vmem_shared>>
    tpu.wait_indirect_dma semaphore(%arg26 : memref<!tpu.dma_semaphore, #tpu.memory_space<semaphore_mem>>) src(%arg16 : memref<32x256xf32, #tpu.memory_space<vmem>>) dst(%dma_wait3A_135 : memref<4096x256xf32, #tpu.memory_space<vmem_shared>>)
    %dma_wait3A_136 = arith.constant 125 : i32
    %dma_wait3A_137 = arith.constant 0 : i32
    %dma_wait3A_138 = tpu.memref_slice %arg13[%dma_wait3A_136, %dma_wait3A_137] : memref<128x32xi32, #tpu.memory_space<vmem>> -> memref<1x32xi32, #tpu.memory_space<vmem>>
    %dma_wait3A_139 = tpu.memref_squeeze %dma_wait3A_138 : memref<1x32xi32, #tpu.memory_space<vmem>> -> memref<32xi32, #tpu.memory_space<vmem>>
    %dma_wait3A_140 = arith.constant 0 : i32
    %dma_wait3A_141 = arith.constant 0 : i32
    %dma_wait3A_142 = tpu.memref_slice %arg21[%dma_wait3A_140, %dma_wait3A_141] : memref<4096x256xf32, #tpu.memory_space<vmem_shared>> -> memref<4096x256xf32, #tpu.memory_space<vmem_shared>>
    tpu.wait_indirect_dma semaphore(%arg27 : memref<!tpu.dma_semaphore, #tpu.memory_space<semaphore_mem>>) src(%arg17 : memref<32x256xf32, #tpu.memory_space<vmem>>) dst(%dma_wait3A_142 : memref<4096x256xf32, #tpu.memory_space<vmem_shared>>)
    %dma_wait3A_143 = arith.constant 126 : i32
    %dma_wait3A_144 = arith.constant 0 : i32
    %dma_wait3A_145 = tpu.memref_slice %arg13[%dma_wait3A_143, %dma_wait3A_144] : memref<128x32xi32, #tpu.memory_space<vmem>> -> memref<1x32xi32, #tpu.memory_space<vmem>>
    %dma_wait3A_146 = tpu.memref_squeeze %dma_wait3A_145 : memref<1x32xi32, #tpu.memory_space<vmem>> -> memref<32xi32, #tpu.memory_space<vmem>>
    %dma_wait3A_147 = arith.constant 0 : i32
    %dma_wait3A_148 = arith.constant 0 : i32
    %dma_wait3A_149 = tpu.memref_slice %arg21[%dma_wait3A_147, %dma_wait3A_148] : memref<4096x256xf32, #tpu.memory_space<vmem_shared>> -> memref<4096x256xf32, #tpu.memory_space<vmem_shared>>
    tpu.wait_indirect_dma semaphore(%arg28 : memref<!tpu.dma_semaphore, #tpu.memory_space<semaphore_mem>>) src(%arg18 : memref<32x256xf32, #tpu.memory_space<vmem>>) dst(%dma_wait3A_149 : memref<4096x256xf32, #tpu.memory_space<vmem_shared>>)
    %dma_wait3A_150 = arith.constant 127 : i32
    %dma_wait3A_151 = arith.constant 0 : i32
    %dma_wait3A_152 = tpu.memref_slice %arg13[%dma_wait3A_150, %dma_wait3A_151] : memref<128x32xi32, #tpu.memory_space<vmem>> -> memref<1x32xi32, #tpu.memory_space<vmem>>
    %dma_wait3A_153 = tpu.memref_squeeze %dma_wait3A_152 : memref<1x32xi32, #tpu.memory_space<vmem>> -> memref<32xi32, #tpu.memory_space<vmem>>
    %dma_wait3A_154 = arith.constant 0 : i32
    %dma_wait3A_155 = arith.constant 0 : i32
    %dma_wait3A_156 = tpu.memref_slice %arg21[%dma_wait3A_154, %dma_wait3A_155] : memref<4096x256xf32, #tpu.memory_space<vmem_shared>> -> memref<4096x256xf32, #tpu.memory_space<vmem_shared>>
    tpu.wait_indirect_dma semaphore(%arg29 : memref<!tpu.dma_semaphore, #tpu.memory_space<semaphore_mem>>) src(%arg19 : memref<32x256xf32, #tpu.memory_space<vmem>>) dst(%dma_wait3A_156 : memref<4096x256xf32, #tpu.memory_space<vmem_shared>>)
    %barrier3A_157 = arith.constant 0 : index
    tpu.barrier barrier_id(%barrier3A_157)
    %eq3A_158 = arith.constant 0 : i32
    %eq3A_159 = arith.cmpi eq, %arg0, %eq3A_158 : i32
    %convert_element_type3A_160 = arith.extui %eq3A_159 : i1 to i32
    %cond3A_161 = arith.constant 0 : i32
    %cond3A_162 = arith.cmpi ne, %convert_element_type3A_160, %cond3A_161 : i32
    scf.if %cond3A_162 {
      %mul3A_169 = arith.constant 256 : i32
      %mul3A_170 = arith.muli %arg1, %mul3A_169 : i32
      %mul3A_171 = arith.constant 256 : i32
      %mul3A_172 = arith.muli %arg1, %mul3A_171 : i32
      "tpu.region"() ({
        %run_scoped3A = tpu.sem_alloc : memref<!tpu.dma_semaphore, #tpu.memory_space<semaphore_mem>>
        %dma_start3A_173 = arith.constant 0 : i32
        %dma_start3A_174 = tpu.memref_slice %arg9[%mul3A_172, %dma_start3A_173] : memref<4096x256xf32, #tpu.memory_space<hbm>> -> memref<256x256xf32, #tpu.memory_space<hbm>>
        %dma_start3A_175 = arith.constant 0 : i32
        %dma_start3A_176 = tpu.memref_slice %arg21[%mul3A_170, %dma_start3A_175] : memref<4096x256xf32, #tpu.memory_space<vmem_shared>> -> memref<256x256xf32, #tpu.memory_space<vmem_shared>>
        tpu.enqueue_dma source(%dma_start3A_176 : memref<256x256xf32, #tpu.memory_space<vmem_shared>>) target(%dma_start3A_174 : memref<256x256xf32, #tpu.memory_space<hbm>>) target_semaphore(%run_scoped3A : memref<!tpu.dma_semaphore, #tpu.memory_space<semaphore_mem>>)
        %dma_wait3A_177 = arith.constant 0 : i32
        %dma_wait3A_178 = tpu.memref_slice %arg9[%mul3A_172, %dma_wait3A_177] : memref<4096x256xf32, #tpu.memory_space<hbm>> -> memref<256x256xf32, #tpu.memory_space<hbm>>
        %dma_wait3A_179 = arith.constant 0 : i32
        %dma_wait3A_180 = tpu.memref_slice %arg21[%mul3A_170, %dma_wait3A_179] : memref<4096x256xf32, #tpu.memory_space<vmem_shared>> -> memref<256x256xf32, #tpu.memory_space<vmem_shared>>
        tpu.wait_dma2 semaphore(%run_scoped3A : memref<!tpu.dma_semaphore, #tpu.memory_space<semaphore_mem>>) src(%dma_wait3A_180 : memref<256x256xf32, #tpu.memory_space<vmem_shared>>) dst(%dma_wait3A_178 : memref<256x256xf32, #tpu.memory_space<hbm>>)
        tpu.yield
      }) : () -> ()
    } else {
    }
    %eq3A_163 = arith.constant 1 : i32
    %eq3A_164 = arith.cmpi eq, %arg0, %eq3A_163 : i32
    %convert_element_type3A_165 = arith.extui %eq3A_164 : i1 to i32
    %cond3A_166 = arith.constant 0 : i32
    %cond3A_167 = arith.cmpi ne, %convert_element_type3A_165, %cond3A_166 : i32
    scf.if %cond3A_167 {
      %mul3A_169 = arith.constant 256 : i32
      %mul3A_170 = arith.muli %arg1, %mul3A_169 : i32
      %mul3A_171 = arith.constant 256 : i32
      %mul3A_172 = arith.muli %arg1, %mul3A_171 : i32
      "tpu.region"() ({
        %run_scoped3A = tpu.sem_alloc : memref<!tpu.dma_semaphore, #tpu.memory_space<semaphore_mem>>
        %dma_start3A_173 = arith.constant 0 : i32
        %dma_start3A_174 = tpu.memref_slice %arg10[%mul3A_172, %dma_start3A_173] : memref<4096x256xf32, #tpu.memory_space<hbm>> -> memref<256x256xf32, #tpu.memory_space<hbm>>
        %dma_start3A_175 = arith.constant 0 : i32
        %dma_start3A_176 = tpu.memref_slice %arg21[%mul3A_170, %dma_start3A_175] : memref<4096x256xf32, #tpu.memory_space<vmem_shared>> -> memref<256x256xf32, #tpu.memory_space<vmem_shared>>
        tpu.enqueue_dma source(%dma_start3A_176 : memref<256x256xf32, #tpu.memory_space<vmem_shared>>) target(%dma_start3A_174 : memref<256x256xf32, #tpu.memory_space<hbm>>) target_semaphore(%run_scoped3A : memref<!tpu.dma_semaphore, #tpu.memory_space<semaphore_mem>>)
        %dma_wait3A_177 = arith.constant 0 : i32
        %dma_wait3A_178 = tpu.memref_slice %arg10[%mul3A_172, %dma_wait3A_177] : memref<4096x256xf32, #tpu.memory_space<hbm>> -> memref<256x256xf32, #tpu.memory_space<hbm>>
        %dma_wait3A_179 = arith.constant 0 : i32
        %dma_wait3A_180 = tpu.memref_slice %arg21[%mul3A_170, %dma_wait3A_179] : memref<4096x256xf32, #tpu.memory_space<vmem_shared>> -> memref<256x256xf32, #tpu.memory_space<vmem_shared>>
        tpu.wait_dma2 semaphore(%run_scoped3A : memref<!tpu.dma_semaphore, #tpu.memory_space<semaphore_mem>>) src(%dma_wait3A_180 : memref<256x256xf32, #tpu.memory_space<vmem_shared>>) dst(%dma_wait3A_178 : memref<256x256xf32, #tpu.memory_space<hbm>>)
        tpu.yield
      }) : () -> ()
    } else {
    }
    %barrier3A_168 = arith.constant 0 : index
    tpu.barrier barrier_id(%barrier3A_168)
    "tpu.region"() ({
      %run_scoped3A = tpu.sem_alloc : memref<!tpu.dma_semaphore, #tpu.memory_space<semaphore_mem>>
      %dma_start3A_169 = arith.constant 0 : i32
      %dma_start3A_170 = arith.constant 0 : i32
      %dma_start3A_171 = tpu.memref_slice %arg11[%add3A, %dma_start3A_169, %dma_start3A_170] : memref<32x32x128xf32, #tpu.memory_space<hbm>> -> memref<1x32x128xf32, #tpu.memory_space<hbm>>
      %dma_start3A_172 = tpu.memref_squeeze %dma_start3A_171 : memref<1x32x128xf32, #tpu.memory_space<hbm>> -> memref<32x128xf32, #tpu.memory_space<hbm>>
      %dma_start3A_173 = arith.constant 0 : i32
      %dma_start3A_174 = arith.constant 0 : i32
      %dma_start3A_175 = tpu.memref_slice %arg11[%add3A, %dma_start3A_173, %dma_start3A_174] : memref<32x32x128xf32, #tpu.memory_space<hbm>> -> memref<1x32x128xf32, #tpu.memory_space<hbm>>
      %dma_start3A_176 = tpu.memref_squeeze %dma_start3A_175 : memref<1x32x128xf32, #tpu.memory_space<hbm>> -> memref<32x128xf32, #tpu.memory_space<hbm>>
      tpu.enqueue_dma source(%arg20 : memref<32x128xf32, #tpu.memory_space<vmem>>) target(%dma_start3A_176 : memref<32x128xf32, #tpu.memory_space<hbm>>) target_semaphore(%run_scoped3A : memref<!tpu.dma_semaphore, #tpu.memory_space<semaphore_mem>>)
      %dma_wait3A_177 = arith.constant 0 : i32
      %dma_wait3A_178 = arith.constant 0 : i32
      %dma_wait3A_179 = tpu.memref_slice %arg11[%add3A, %dma_wait3A_177, %dma_wait3A_178] : memref<32x32x128xf32, #tpu.memory_space<hbm>> -> memref<1x32x128xf32, #tpu.memory_space<hbm>>
      %dma_wait3A_180 = tpu.memref_squeeze %dma_wait3A_179 : memref<1x32x128xf32, #tpu.memory_space<hbm>> -> memref<32x128xf32, #tpu.memory_space<hbm>>
      %dma_wait3A_181 = arith.constant 0 : i32
      %dma_wait3A_182 = arith.constant 0 : i32
      %dma_wait3A_183 = tpu.memref_slice %arg11[%add3A, %dma_wait3A_181, %dma_wait3A_182] : memref<32x32x128xf32, #tpu.memory_space<hbm>> -> memref<1x32x128xf32, #tpu.memory_space<hbm>>
      %dma_wait3A_184 = tpu.memref_squeeze %dma_wait3A_183 : memref<1x32x128xf32, #tpu.memory_space<hbm>> -> memref<32x128xf32, #tpu.memory_space<hbm>>
      tpu.wait_dma2 semaphore(%run_scoped3A : memref<!tpu.dma_semaphore, #tpu.memory_space<semaphore_mem>>) src(%arg20 : memref<32x128xf32, #tpu.memory_space<vmem>>) dst(%dma_wait3A_184 : memref<32x128xf32, #tpu.memory_space<hbm>>)
      tpu.yield
    }) : () -> ()
    return
  }
}

module attributes {stable_mosaic.version = 14 : i64} {
  func.func @_tc_main_body(%arg0: i32, %arg1: memref<512x1024xf32, #tpu.memory_space<vmem>>, %arg2: memref<512x256xf32, #tpu.memory_space<vmem>>, %arg3: memref<512x256xf32, #tpu.memory_space<vmem>>, %arg4: memref<512x256xf32, #tpu.memory_space<vmem>>, %arg5: memref<512x256xf32, #tpu.memory_space<vmem>>, %arg6: memref<32x512xf32, #tpu.memory_space<vmem>>, %arg7: memref<4x128x128xf32, #tpu.memory_space<vmem>>, %arg8: memref<1024x1024xf32, #tpu.memory_space<vmem>>, %arg9: memref<1x1024xf32, #tpu.memory_space<vmem>>, %arg10: memref<1024x512xf32, #tpu.memory_space<vmem>>, %arg11: memref<1x512xf32, #tpu.memory_space<vmem>>, %arg12: memref<1x512xf32, #tpu.memory_space<vmem>>, %arg13: memref<1024x512xf32, #tpu.memory_space<vmem>>, %arg14: memref<1x512xf32, #tpu.memory_space<vmem>>, %arg15: memref<1x512xf32, #tpu.memory_space<vmem>>, %arg16: memref<1x4xf32, #tpu.memory_space<smem>>, %arg17: memref<512x1024xf32, #tpu.memory_space<vmem>>, %arg18: memref<1x4x128xf32, #tpu.memory_space<vmem>>, %arg19: memref<1x4x128xf32, #tpu.memory_space<vmem>>) attributes {dimension_semantics = [#tpu.dimension_semantics<arbitrary>], iteration_bounds = array<i64: 8>, scalar_prefetch = 0 : i64, scratch_operands = 0 : i64, tpu.core_type = #tpu.core_type<tc>, window_params = [{transform_indices = @transform_0, window_bounds = array<i64: 512, 1024>}, {transform_indices = @transform_1, window_bounds = array<i64: 512, 256>}, {transform_indices = @transform_2, window_bounds = array<i64: 512, 256>}, {transform_indices = @transform_3, window_bounds = array<i64: 512, 256>}, {transform_indices = @transform_4, window_bounds = array<i64: 512, 256>}, {transform_indices = @transform_5, window_bounds = array<i64: 32, 512>}, {transform_indices = @transform_6, window_bounds = array<i64: 4, 128, 128>}, {pipeline_mode = #tpu.pipeline_mode<synchronous>, transform_indices = @transform_7, window_bounds = array<i64: 1024, 1024>}, {pipeline_mode = #tpu.pipeline_mode<synchronous>, transform_indices = @transform_8, window_bounds = array<i64: 1, 1024>}, {pipeline_mode = #tpu.pipeline_mode<synchronous>, transform_indices = @transform_9, window_bounds = array<i64: 1024, 512>}, {pipeline_mode = #tpu.pipeline_mode<synchronous>, transform_indices = @transform_10, window_bounds = array<i64: 1, 512>}, {pipeline_mode = #tpu.pipeline_mode<synchronous>, transform_indices = @transform_11, window_bounds = array<i64: 1, 512>}, {pipeline_mode = #tpu.pipeline_mode<synchronous>, transform_indices = @transform_12, window_bounds = array<i64: 1024, 512>}, {pipeline_mode = #tpu.pipeline_mode<synchronous>, transform_indices = @transform_13, window_bounds = array<i64: 1, 512>}, {pipeline_mode = #tpu.pipeline_mode<synchronous>, transform_indices = @transform_14, window_bounds = array<i64: 1, 512>}, {transform_indices = @transform_15, window_bounds = array<i64: 1, 4>}, {transform_indices = @transform_16, window_bounds = array<i64: 512, 1024>}, {transform_indices = @transform_17, window_bounds = array<i64: 1, 4, 128>}, {transform_indices = @transform_18, window_bounds = array<i64: 1, 4, 128>}]} {
    %get3A = arith.constant 0 : index
    %get3A_0 = arith.constant 0 : index
    %get3A_1 = memref.load %arg16[%get3A, %get3A_0] : memref<1x4xf32, #tpu.memory_space<smem>>
    %get3A_2 = arith.constant 0 : index
    %get3A_3 = arith.constant 1 : index
    %get3A_4 = memref.load %arg16[%get3A_2, %get3A_3] : memref<1x4xf32, #tpu.memory_space<smem>>
    %get3A_5 = arith.constant 0 : index
    %get3A_6 = arith.constant 2 : index
    %get3A_7 = memref.load %arg16[%get3A_5, %get3A_6] : memref<1x4xf32, #tpu.memory_space<smem>>
    %get3A_8 = arith.constant 0 : index
    %get3A_9 = arith.constant 3 : index
    %get3A_10 = memref.load %arg16[%get3A_8, %get3A_9] : memref<1x4xf32, #tpu.memory_space<smem>>
    %get3A_11 = arith.constant 0 : index
    %get3A_12 = arith.constant 0 : index
    %get3A_13 = vector.load %arg6[%get3A_11, %get3A_12] : memref<32x512xf32, #tpu.memory_space<vmem>>, vector<32x512xf32>
    %reduce_sum3A = arith.constant dense<0.000000e+00> : vector<512xf32>
    %reduce_sum3A_14 = vector.multi_reduction <add>, %get3A_13, %reduce_sum3A [0] : vector<32x512xf32> to vector<512xf32>
    %mul3A = arith.constant 5.000000e-01 : f32
    %mul3A_15 = vector.broadcast %mul3A : f32 to vector<512xf32>
    %mul3A_16 = arith.mulf %mul3A_15, %reduce_sum3A_14 : vector<512xf32>
    %jit3A = arith.constant 1.000000e+00 : f32
    %max3A = vector.broadcast %jit3A : f32 to vector<512xf32>
    %max3A_17 = arith.maximumf %max3A, %mul3A_16 : vector<512xf32>
    %get3A_18 = arith.constant 0 : index
    %get3A_19 = arith.constant 0 : index
    %get3A_20 = vector.load %arg2[%get3A_18, %get3A_19] : memref<512x256xf32, #tpu.memory_space<vmem>>, vector<512x256xf32>
    %get3A_21 = arith.constant 0 : index
    %get3A_22 = arith.constant 0 : index
    %get3A_23 = vector.load %arg3[%get3A_21, %get3A_22] : memref<512x256xf32, #tpu.memory_space<vmem>>, vector<512x256xf32>
    %get3A_24 = arith.constant 0 : index
    %get3A_25 = arith.constant 0 : index
    %get3A_26 = vector.load %arg4[%get3A_24, %get3A_25] : memref<512x256xf32, #tpu.memory_space<vmem>>, vector<512x256xf32>
    %get3A_27 = arith.constant 0 : index
    %get3A_28 = arith.constant 0 : index
    %get3A_29 = vector.load %arg5[%get3A_27, %get3A_28] : memref<512x256xf32, #tpu.memory_space<vmem>>, vector<512x256xf32>
    %concatenate3A = tpu.concatenate %get3A_20, %get3A_23, %get3A_26, %get3A_29 in 1 : vector<512x256xf32>, vector<512x256xf32>, vector<512x256xf32>, vector<512x256xf32> -> vector<512x1024xf32>
    %get3A_30 = arith.constant 0 : index
    %get3A_31 = arith.constant 0 : index
    %get3A_32 = vector.load %arg1[%get3A_30, %get3A_31] : memref<512x1024xf32, #tpu.memory_space<vmem>>, vector<512x1024xf32>
    %broadcast_in_dim3A = vector.shape_cast %max3A_17 : vector<512xf32> to vector<512x1xf32>
    %div3A = vector.broadcast %broadcast_in_dim3A : vector<512x1xf32> to vector<512x1024xf32>
    %div3A_33 = arith.divf %concatenate3A, %div3A : vector<512x1024xf32>
    %add3A = arith.addf %get3A_32, %div3A_33 : vector<512x1024xf32>
    %convert_element_type3A = arith.truncf %add3A : vector<512x1024xf32> to vector<512x1024xbf16>
    %get3A_34 = arith.constant 0 : index
    %get3A_35 = arith.constant 0 : index
    %get3A_36 = vector.load %arg8[%get3A_34, %get3A_35] : memref<1024x1024xf32, #tpu.memory_space<vmem>>, vector<1024x1024xf32>
    %convert_element_type3A_37 = arith.truncf %get3A_36 : vector<1024x1024xf32> to vector<1024x1024xbf16>
    %dot_general3A = arith.constant dense<0.000000e+00> : vector<512x1024xf32>
    %dot_general3A_38 = tpu.matmul %convert_element_type3A, %convert_element_type3A_37, %dot_general3A {dimension_numbers = #tpu.dot_dimension_numbers<[1], [0], [0], [1], [0, 0, 1, 1], [], []>, transpose_lhs_hint = false} : vector<512x1024xbf16>, vector<1024x1024xbf16>, vector<512x1024xf32> -> vector<512x1024xf32>
    %get3A_39 = arith.constant 0 : index
    %get3A_40 = arith.constant 0 : index
    %get3A_41 = vector.load %arg9[%get3A_39, %get3A_40] : memref<1x1024xf32, #tpu.memory_space<vmem>>, vector<1x1024xf32>
    %add3A_42 = vector.broadcast %get3A_41 : vector<1x1024xf32> to vector<512x1024xf32>
    %add3A_43 = arith.addf %dot_general3A_38, %add3A_42 : vector<512x1024xf32>
    %max3A_44 = arith.constant 0.000000e+00 : f32
    %max3A_45 = vector.broadcast %max3A_44 : f32 to vector<512x1024xf32>
    %max3A_46 = arith.maximumf %add3A_43, %max3A_45 : vector<512x1024xf32>
    %swap3A = arith.constant 0 : index
    %swap3A_47 = arith.constant 0 : index
    %swap3A_48 = vector.load %arg17[%swap3A, %swap3A_47] : memref<512x1024xf32, #tpu.memory_space<vmem>>, vector<512x1024xf32>
    tpu.vector_store %arg17[%swap3A, %swap3A_47], %max3A_46 {strides = array<i32>} : memref<512x1024xf32, #tpu.memory_space<vmem>>, vector<512x1024xf32>,
    %convert_element_type3A_49 = arith.truncf %max3A_46 : vector<512x1024xf32> to vector<512x1024xbf16>
    %get3A_50 = arith.constant 0 : index
    %get3A_51 = arith.constant 0 : index
    %get3A_52 = vector.load %arg10[%get3A_50, %get3A_51] : memref<1024x512xf32, #tpu.memory_space<vmem>>, vector<1024x512xf32>
    %convert_element_type3A_53 = arith.truncf %get3A_52 : vector<1024x512xf32> to vector<1024x512xbf16>
    %dot_general3A_54 = arith.constant dense<0.000000e+00> : vector<512x512xf32>
    %dot_general3A_55 = tpu.matmul %convert_element_type3A_49, %convert_element_type3A_53, %dot_general3A_54 {dimension_numbers = #tpu.dot_dimension_numbers<[1], [0], [0], [1], [0, 0, 1, 1], [], []>, transpose_lhs_hint = false} : vector<512x1024xbf16>, vector<1024x512xbf16>, vector<512x512xf32> -> vector<512x512xf32>
    %get3A_56 = arith.constant 0 : index
    %get3A_57 = arith.constant 0 : index
    %get3A_58 = vector.load %arg11[%get3A_56, %get3A_57] : memref<1x512xf32, #tpu.memory_space<vmem>>, vector<1x512xf32>
    %add3A_59 = vector.broadcast %get3A_58 : vector<1x512xf32> to vector<512x512xf32>
    %add3A_60 = arith.addf %dot_general3A_55, %add3A_59 : vector<512x512xf32>
    %max3A_61 = arith.constant 0.000000e+00 : f32
    %max3A_62 = vector.broadcast %max3A_61 : f32 to vector<512x512xf32>
    %max3A_63 = arith.maximumf %add3A_60, %max3A_62 : vector<512x512xf32>
    %convert_element_type3A_64 = arith.truncf %max3A_63 : vector<512x512xf32> to vector<512x512xbf16>
    %convert_element_type3A_65 = arith.extf %convert_element_type3A_64 : vector<512x512xbf16> to vector<512x512xf32>
    %get3A_66 = arith.constant 0 : index
    %get3A_67 = arith.constant 0 : index
    %get3A_68 = vector.load %arg12[%get3A_66, %get3A_67] : memref<1x512xf32, #tpu.memory_space<vmem>>, vector<1x512xf32>
    %convert_element_type3A_69 = arith.truncf %get3A_68 : vector<1x512xf32> to vector<1x512xbf16>
    %convert_element_type3A_70 = arith.extf %convert_element_type3A_69 : vector<1x512xbf16> to vector<1x512xf32>
    %mul3A_71 = vector.broadcast %convert_element_type3A_70 : vector<1x512xf32> to vector<512x512xf32>
    %mul3A_72 = arith.mulf %convert_element_type3A_65, %mul3A_71 : vector<512x512xf32>
    %reduce_sum3A_73 = arith.constant dense<0.000000e+00> : vector<512xf32>
    %reduce_sum3A_74 = vector.multi_reduction <add>, %mul3A_72, %reduce_sum3A_73 [1] : vector<512x512xf32> to vector<512xf32>
    %reshape3A = vector.shape_cast %reduce_sum3A_74 : vector<512xf32> to vector<4x128xf32>
    %add3A_75 = vector.broadcast %get3A_7 : f32 to vector<4x128xf32>
    %add3A_76 = arith.addf %reshape3A, %add3A_75 : vector<4x128xf32>
    %convert_element_type3A_77 = arith.truncf %max3A_46 : vector<512x1024xf32> to vector<512x1024xbf16>
    %get3A_78 = arith.constant 0 : index
    %get3A_79 = arith.constant 0 : index
    %get3A_80 = vector.load %arg13[%get3A_78, %get3A_79] : memref<1024x512xf32, #tpu.memory_space<vmem>>, vector<1024x512xf32>
    %convert_element_type3A_81 = arith.truncf %get3A_80 : vector<1024x512xf32> to vector<1024x512xbf16>
    %dot_general3A_82 = arith.constant dense<0.000000e+00> : vector<512x512xf32>
    %dot_general3A_83 = tpu.matmul %convert_element_type3A_77, %convert_element_type3A_81, %dot_general3A_82 {dimension_numbers = #tpu.dot_dimension_numbers<[1], [0], [0], [1], [0, 0, 1, 1], [], []>, transpose_lhs_hint = false} : vector<512x1024xbf16>, vector<1024x512xbf16>, vector<512x512xf32> -> vector<512x512xf32>
    %get3A_84 = arith.constant 0 : index
    %get3A_85 = arith.constant 0 : index
    %get3A_86 = vector.load %arg14[%get3A_84, %get3A_85] : memref<1x512xf32, #tpu.memory_space<vmem>>, vector<1x512xf32>
    %add3A_87 = vector.broadcast %get3A_86 : vector<1x512xf32> to vector<512x512xf32>
    %add3A_88 = arith.addf %dot_general3A_83, %add3A_87 : vector<512x512xf32>
    %max3A_89 = arith.constant 0.000000e+00 : f32
    %max3A_90 = vector.broadcast %max3A_89 : f32 to vector<512x512xf32>
    %max3A_91 = arith.maximumf %add3A_88, %max3A_90 : vector<512x512xf32>
    %convert_element_type3A_92 = arith.truncf %max3A_91 : vector<512x512xf32> to vector<512x512xbf16>
    %convert_element_type3A_93 = arith.extf %convert_element_type3A_92 : vector<512x512xbf16> to vector<512x512xf32>
    %get3A_94 = arith.constant 0 : index
    %get3A_95 = arith.constant 0 : index
    %get3A_96 = vector.load %arg15[%get3A_94, %get3A_95] : memref<1x512xf32, #tpu.memory_space<vmem>>, vector<1x512xf32>
    %convert_element_type3A_97 = arith.truncf %get3A_96 : vector<1x512xf32> to vector<1x512xbf16>
    %convert_element_type3A_98 = arith.extf %convert_element_type3A_97 : vector<1x512xbf16> to vector<1x512xf32>
    %mul3A_99 = vector.broadcast %convert_element_type3A_98 : vector<1x512xf32> to vector<512x512xf32>
    %mul3A_100 = arith.mulf %convert_element_type3A_93, %mul3A_99 : vector<512x512xf32>
    %reduce_sum3A_101 = arith.constant dense<0.000000e+00> : vector<512xf32>
    %reduce_sum3A_102 = vector.multi_reduction <add>, %mul3A_100, %reduce_sum3A_101 [1] : vector<512x512xf32> to vector<512xf32>
    %reshape3A_103 = vector.shape_cast %reduce_sum3A_102 : vector<512xf32> to vector<4x128xf32>
    %add3A_104 = vector.broadcast %get3A_10 : f32 to vector<4x128xf32>
    %add3A_105 = arith.addf %reshape3A_103, %add3A_104 : vector<4x128xf32>
    %get3A_106 = arith.constant 0 : index
    %get3A_107 = arith.constant 0 : index
    %get3A_108 = arith.constant 0 : index
    %get3A_109 = vector.load %arg7[%get3A_106, %get3A_107, %get3A_108] : memref<4x128x128xf32, #tpu.memory_space<vmem>>, vector<4x128x128xf32>
    %reduce_max3A = arith.constant dense<0xFF800000> : vector<4x128xf32>
    %reduce_max3A_110 = vector.multi_reduction <maximumf>, %get3A_109, %reduce_max3A [1] : vector<4x128x128xf32> to vector<4x128xf32>
    %gt3A = arith.constant 0.000000e+00 : f32
    %gt3A_111 = vector.broadcast %gt3A : f32 to vector<4x128xf32>
    %gt3A_112 = arith.cmpf ogt, %reduce_max3A_110, %gt3A_111 : vector<4x128xf32>
    %div3A_113 = vector.broadcast %get3A_1 : f32 to vector<4x128xf32>
    %div3A_114 = arith.divf %add3A_76, %div3A_113 : vector<4x128xf32>
    %jit3A_115 = arith.constant -1.000000e+09 : f32
    %broadcast_in_dim3A_116 = vector.broadcast %jit3A_115 : f32 to vector<4x128xf32>
    %select_n3A = arith.select %gt3A_112, %div3A_114, %broadcast_in_dim3A_116 : vector<4x128xi1>, vector<4x128xf32>
    %reduce_max3A_117 = arith.constant dense<0xFF800000> : vector<4xf32>
    %reduce_max3A_118 = vector.multi_reduction <maximumf>, %select_n3A, %reduce_max3A_117 [1] : vector<4x128xf32> to vector<4xf32>
    %broadcast_in_dim3A_119 = vector.shape_cast %reduce_max3A_118 : vector<4xf32> to vector<4x1xf32>
    %sub3A = vector.broadcast %broadcast_in_dim3A_119 : vector<4x1xf32> to vector<4x128xf32>
    %sub3A_120 = arith.subf %select_n3A, %sub3A : vector<4x128xf32>
    %exp3A = math.exp %sub3A_120 : vector<4x128xf32>
    %reduce_sum3A_121 = arith.constant dense<0.000000e+00> : vector<4xf32>
    %reduce_sum3A_122 = vector.multi_reduction <add>, %exp3A, %reduce_sum3A_121 [1] : vector<4x128xf32> to vector<4xf32>
    %broadcast_in_dim3A_123 = vector.shape_cast %reduce_sum3A_122 : vector<4xf32> to vector<4x1xf32>
    %div3A_124 = vector.broadcast %broadcast_in_dim3A_123 : vector<4x1xf32> to vector<4x128xf32>
    %div3A_125 = arith.divf %exp3A, %div3A_124 : vector<4x128xf32>
    %reduce_sum3A_126 = arith.constant dense<0.000000e+00> : vector<4xf32>
    %reduce_sum3A_127 = vector.multi_reduction <add>, %reduce_max3A_110, %reduce_sum3A_126 [1] : vector<4x128xf32> to vector<4xf32>
    %broadcast_in_dim3A_128 = vector.shape_cast %reduce_sum3A_127 : vector<4xf32> to vector<4x1xf32>
    %jit3A_129 = arith.constant 1.000000e+00 : f32
    %max3A_130 = vector.broadcast %jit3A_129 : f32 to vector<4x1xf32>
    %max3A_131 = arith.maximumf %max3A_130, %broadcast_in_dim3A_128 : vector<4x1xf32>
    %div3A_132 = vector.broadcast %max3A_131 : vector<4x1xf32> to vector<4x128xf32>
    %div3A_133 = arith.divf %reduce_max3A_110, %div3A_132 : vector<4x128xf32>
    %sub3A_134 = arith.constant 1.000000e+00 : f32
    %sub3A_135 = arith.subf %sub3A_134, %get3A_4 : f32
    %mul3A_136 = vector.broadcast %sub3A_135 : f32 to vector<4x128xf32>
    %mul3A_137 = arith.mulf %mul3A_136, %div3A_125 : vector<4x128xf32>
    %mul3A_138 = vector.broadcast %get3A_4 : f32 to vector<4x128xf32>
    %mul3A_139 = arith.mulf %mul3A_138, %div3A_133 : vector<4x128xf32>
    %add3A_140 = arith.addf %mul3A_137, %mul3A_139 : vector<4x128xf32>
    %add3A_141 = arith.constant 9.99999968E-21 : f32
    %add3A_142 = vector.broadcast %add3A_141 : f32 to vector<4x128xf32>
    %add3A_143 = arith.addf %add3A_140, %add3A_142 : vector<4x128xf32>
    %log3A = math.log %add3A_143 : vector<4x128xf32>
    %broadcast_in_dim3A_144 = vector.shape_cast %log3A : vector<4x128xf32> to vector<1x4x128xf32>
    %swap3A_145 = arith.constant 0 : index
    %swap3A_146 = arith.constant 0 : index
    %swap3A_147 = arith.constant 0 : index
    %swap3A_148 = vector.load %arg18[%swap3A_145, %swap3A_146, %swap3A_147] : memref<1x4x128xf32, #tpu.memory_space<vmem>>, vector<1x4x128xf32>
    tpu.vector_store %arg18[%swap3A_145, %swap3A_146, %swap3A_147], %broadcast_in_dim3A_144 {strides = array<i32>} : memref<1x4x128xf32, #tpu.memory_space<vmem>>, vector<1x4x128xf32>,
    %iota3A = tpu.iota {dimensions = array<i32: 1>} : vector<4x128xi32>
    %le3A = arith.constant 0.000000e+00 : f32
    %le3A_149 = vector.broadcast %le3A : f32 to vector<4x128xf32>
    %le3A_150 = arith.cmpf ole, %reduce_max3A_110, %le3A_149 : vector<4x128xf32>
    %gt3A_151 = arith.constant 0 : i32
    %gt3A_152 = vector.broadcast %gt3A_151 : i32 to vector<4x128xi32>
    %gt3A_153 = arith.cmpi sgt, %iota3A, %gt3A_152 : vector<4x128xi32>
    %and3A = arith.andi %le3A_150, %gt3A_153 : vector<4x128xi1>
    %jit3A_154 = arith.constant -1.000000e+09 : f32
    %broadcast_in_dim3A_155 = vector.broadcast %jit3A_154 : f32 to vector<4x128xf32>
    %select_n3A_156 = arith.select %and3A, %add3A_105, %broadcast_in_dim3A_155 : vector<4x128xi1>, vector<4x128xf32>
    %broadcast_in_dim3A_157 = vector.shape_cast %select_n3A_156 : vector<4x128xf32> to vector<1x4x128xf32>
    %swap3A_158 = arith.constant 0 : index
    %swap3A_159 = arith.constant 0 : index
    %swap3A_160 = arith.constant 0 : index
    %swap3A_161 = vector.load %arg19[%swap3A_158, %swap3A_159, %swap3A_160] : memref<1x4x128xf32, #tpu.memory_space<vmem>>, vector<1x4x128xf32>
    tpu.vector_store %arg19[%swap3A_158, %swap3A_159, %swap3A_160], %broadcast_in_dim3A_157 {strides = array<i32>} : memref<1x4x128xf32, #tpu.memory_space<vmem>>, vector<1x4x128xf32>,
    return
  }
  func.func @transform_0(%arg0: i32) -> (i32, i32) {
    %c0_i32 = arith.constant 0 : i32
    %c0_i32_0 = arith.constant 0 : i32
    return %arg0, %c0_i32 : i32, i32
  }
  func.func @transform_1(%arg0: i32) -> (i32, i32) {
    %c0_i32 = arith.constant 0 : i32
    %c0_i32_0 = arith.constant 0 : i32
    return %arg0, %c0_i32 : i32, i32
  }
  func.func @transform_2(%arg0: i32) -> (i32, i32) {
    %c0_i32 = arith.constant 0 : i32
    %c0_i32_0 = arith.constant 0 : i32
    return %arg0, %c0_i32 : i32, i32
  }
  func.func @transform_3(%arg0: i32) -> (i32, i32) {
    %c0_i32 = arith.constant 0 : i32
    %c0_i32_0 = arith.constant 0 : i32
    return %arg0, %c0_i32 : i32, i32
  }
  func.func @transform_4(%arg0: i32) -> (i32, i32) {
    %c0_i32 = arith.constant 0 : i32
    %c0_i32_0 = arith.constant 0 : i32
    return %arg0, %c0_i32 : i32, i32
  }
  func.func @transform_5(%arg0: i32) -> (i32, i32) {
    %c0_i32 = arith.constant 0 : i32
    %c0_i32_0 = arith.constant 0 : i32
    return %c0_i32, %arg0 : i32, i32
  }
  func.func @transform_6(%arg0: i32) -> (i32, i32, i32) {
    %c0_i32 = arith.constant 0 : i32
    %c0_i32_0 = arith.constant 0 : i32
    %c0_i32_1 = arith.constant 0 : i32
    return %arg0, %c0_i32, %c0_i32_0 : i32, i32, i32
  }
  func.func @transform_7(%arg0: i32) -> (i32, i32) {
    %c0_i32 = arith.constant 0 : i32
    %c0_i32_0 = arith.constant 0 : i32
    %c0_i32_1 = arith.constant 0 : i32
    return %c0_i32, %c0_i32_0 : i32, i32
  }
  func.func @transform_8(%arg0: i32) -> (i32, i32) {
    %c0_i32 = arith.constant 0 : i32
    %c0_i32_0 = arith.constant 0 : i32
    %c0_i32_1 = arith.constant 0 : i32
    return %c0_i32, %c0_i32_0 : i32, i32
  }
  func.func @transform_9(%arg0: i32) -> (i32, i32) {
    %c0_i32 = arith.constant 0 : i32
    %c0_i32_0 = arith.constant 0 : i32
    %c0_i32_1 = arith.constant 0 : i32
    return %c0_i32, %c0_i32_0 : i32, i32
  }
  func.func @transform_10(%arg0: i32) -> (i32, i32) {
    %c0_i32 = arith.constant 0 : i32
    %c0_i32_0 = arith.constant 0 : i32
    %c0_i32_1 = arith.constant 0 : i32
    return %c0_i32, %c0_i32_0 : i32, i32
  }
  func.func @transform_11(%arg0: i32) -> (i32, i32) {
    %c0_i32 = arith.constant 0 : i32
    %c0_i32_0 = arith.constant 0 : i32
    %c0_i32_1 = arith.constant 0 : i32
    return %c0_i32, %c0_i32_0 : i32, i32
  }
  func.func @transform_12(%arg0: i32) -> (i32, i32) {
    %c0_i32 = arith.constant 0 : i32
    %c0_i32_0 = arith.constant 0 : i32
    %c0_i32_1 = arith.constant 0 : i32
    return %c0_i32, %c0_i32_0 : i32, i32
  }
  func.func @transform_13(%arg0: i32) -> (i32, i32) {
    %c0_i32 = arith.constant 0 : i32
    %c0_i32_0 = arith.constant 0 : i32
    %c0_i32_1 = arith.constant 0 : i32
    return %c0_i32, %c0_i32_0 : i32, i32
  }
  func.func @transform_14(%arg0: i32) -> (i32, i32) {
    %c0_i32 = arith.constant 0 : i32
    %c0_i32_0 = arith.constant 0 : i32
    %c0_i32_1 = arith.constant 0 : i32
    return %c0_i32, %c0_i32_0 : i32, i32
  }
  func.func @transform_15(%arg0: i32) -> (i32, i32) {
    %c0_i32 = arith.constant 0 : i32
    %c0_i32_0 = arith.constant 0 : i32
    %c0_i32_1 = arith.constant 0 : i32
    return %c0_i32, %c0_i32_0 : i32, i32
  }
  func.func @transform_16(%arg0: i32) -> (i32, i32) {
    %c0_i32 = arith.constant 0 : i32
    %c0_i32_0 = arith.constant 0 : i32
    return %arg0, %c0_i32 : i32, i32
  }
  func.func @transform_17(%arg0: i32) -> (i32, i32, i32) {
    %c0_i32 = arith.constant 0 : i32
    %c0_i32_0 = arith.constant 0 : i32
    %c0_i32_1 = arith.constant 0 : i32
    return %arg0, %c0_i32, %c0_i32_0 : i32, i32, i32
  }
  func.func @transform_18(%arg0: i32) -> (i32, i32, i32) {
    %c0_i32 = arith.constant 0 : i32
    %c0_i32_0 = arith.constant 0 : i32
    %c0_i32_1 = arith.constant 0 : i32
    return %arg0, %c0_i32, %c0_i32_0 : i32, i32, i32
  }
}

module attributes {stable_mosaic.version = 14 : i64} {
  func.func @_tc_head_body(%arg0: i32, %arg1: memref<1x128x1024xf32, #tpu.memory_space<vmem>>, %arg2: memref<1x128x128xf32, #tpu.memory_space<vmem>>, %arg3: memref<1024x1024xf32, #tpu.memory_space<vmem>>, %arg4: memref<1x1024xf32, #tpu.memory_space<vmem>>, %arg5: memref<1x1024xf32, #tpu.memory_space<vmem>>, %arg6: memref<1x1x128xf32, #tpu.memory_space<vmem>>, %arg7: memref<32xi32, #tpu.memory_space<smem>>, %arg8: memref<1x3xf32, #tpu.memory_space<smem>>, %arg9: memref<1x1x128xf32, #tpu.memory_space<vmem>>, %arg10: memref<1x1x1xf32, #tpu.memory_space<vmem>>) attributes {dimension_semantics = [#tpu.dimension_semantics<arbitrary>], iteration_bounds = array<i64: 32>, scalar_prefetch = 0 : i64, scratch_operands = 0 : i64, tpu.core_type = #tpu.core_type<tc>, window_params = [{transform_indices = @transform_0, window_bounds = array<i64: 1, 128, 1024>}, {transform_indices = @transform_1, window_bounds = array<i64: 1, 128, 128>}, {pipeline_mode = #tpu.pipeline_mode<synchronous>, transform_indices = @transform_2, window_bounds = array<i64: 1024, 1024>}, {pipeline_mode = #tpu.pipeline_mode<synchronous>, transform_indices = @transform_3, window_bounds = array<i64: 1, 1024>}, {pipeline_mode = #tpu.pipeline_mode<synchronous>, transform_indices = @transform_4, window_bounds = array<i64: 1, 1024>}, {transform_indices = @transform_5, window_bounds = array<i64: 1, 1, 128>}, {transform_indices = @transform_6, window_bounds = array<i64: 32>}, {transform_indices = @transform_7, window_bounds = array<i64: 1, 3>}, {transform_indices = @transform_8, window_bounds = array<i64: 1, 1, 128>}, {transform_indices = @transform_9, window_bounds = array<i64: 1, 1, 1>}]} {
    %get3A = arith.constant 0 : index
    %get3A_0 = arith.constant 0 : index
    %get3A_1 = memref.load %arg8[%get3A, %get3A_0] : memref<1x3xf32, #tpu.memory_space<smem>>
    %get3A_2 = arith.constant 0 : index
    %get3A_3 = arith.constant 1 : index
    %get3A_4 = memref.load %arg8[%get3A_2, %get3A_3] : memref<1x3xf32, #tpu.memory_space<smem>>
    %get3A_5 = arith.constant 0 : index
    %get3A_6 = arith.constant 2 : index
    %get3A_7 = memref.load %arg8[%get3A_5, %get3A_6] : memref<1x3xf32, #tpu.memory_space<smem>>
    %get3A_8 = arith.index_cast %arg0 : i32 to index
    %get3A_9 = memref.load %arg7[%get3A_8] : memref<32xi32, #tpu.memory_space<smem>>
    %get3A_10 = arith.constant 0 : index
    %get3A_11 = arith.constant 0 : index
    %get3A_12 = arith.constant 0 : index
    %get3A_13 = vector.load %arg1[%get3A_10, %get3A_11, %get3A_12] : memref<1x128x1024xf32, #tpu.memory_space<vmem>>, vector<1x128x1024xf32>
    %get3A_14 = vector.shape_cast %get3A_13 : vector<1x128x1024xf32> to vector<128x1024xf32>
    %iota3A = tpu.iota {dimensions = array<i32: 1>} : vector<1x128xi32>
    %eq3A = vector.broadcast %get3A_9 : i32 to vector<1x128xi32>
    %eq3A_15 = arith.cmpi eq, %iota3A, %eq3A : vector<1x128xi32>
    %convert_element_type3A = arith.extui %eq3A_15 : vector<1x128xi1> to vector<1x128xi32>
    %convert_element_type3A_16 = arith.sitofp %convert_element_type3A : vector<1x128xi32> to vector<1x128xf32>
    %reshape3A = vector.shape_cast %convert_element_type3A_16 : vector<1x128xf32> to vector<128x1xf32>
    %mul3A = vector.broadcast %reshape3A : vector<128x1xf32> to vector<128x1024xf32>
    %mul3A_17 = arith.mulf %get3A_14, %mul3A : vector<128x1024xf32>
    %reduce_sum3A = arith.constant dense<0.000000e+00> : vector<1024xf32>
    %reduce_sum3A_18 = vector.multi_reduction <add>, %mul3A_17, %reduce_sum3A [0] : vector<128x1024xf32> to vector<1024xf32>
    %broadcast_in_dim3A = vector.shape_cast %reduce_sum3A_18 : vector<1024xf32> to vector<1x1024xf32>
    %convert_element_type3A_19 = arith.truncf %get3A_14 : vector<128x1024xf32> to vector<128x1024xbf16>
    %get3A_20 = arith.constant 0 : index
    %get3A_21 = arith.constant 0 : index
    %get3A_22 = vector.load %arg3[%get3A_20, %get3A_21] : memref<1024x1024xf32, #tpu.memory_space<vmem>>, vector<1024x1024xf32>
    %convert_element_type3A_23 = arith.truncf %get3A_22 : vector<1024x1024xf32> to vector<1024x1024xbf16>
    %dot_general3A = arith.constant dense<0.000000e+00> : vector<128x1024xf32>
    %dot_general3A_24 = tpu.matmul %convert_element_type3A_19, %convert_element_type3A_23, %dot_general3A {dimension_numbers = #tpu.dot_dimension_numbers<[1], [0], [0], [1], [0, 0, 1, 1], [], []>, transpose_lhs_hint = false} : vector<128x1024xbf16>, vector<1024x1024xbf16>, vector<128x1024xf32> -> vector<128x1024xf32>
    %get3A_25 = arith.constant 0 : index
    %get3A_26 = arith.constant 0 : index
    %get3A_27 = vector.load %arg4[%get3A_25, %get3A_26] : memref<1x1024xf32, #tpu.memory_space<vmem>>, vector<1x1024xf32>
    %convert_element_type3A_28 = arith.truncf %get3A_27 : vector<1x1024xf32> to vector<1x1024xbf16>
    %convert_element_type3A_29 = arith.extf %convert_element_type3A_28 : vector<1x1024xbf16> to vector<1x1024xf32>
    %add3A = vector.broadcast %convert_element_type3A_29 : vector<1x1024xf32> to vector<128x1024xf32>
    %add3A_30 = arith.addf %dot_general3A_24, %add3A : vector<128x1024xf32>
    %convert_element_type3A_31 = arith.truncf %get3A_14 : vector<128x1024xf32> to vector<128x1024xbf16>
    %convert_element_type3A_32 = arith.extf %convert_element_type3A_31 : vector<128x1024xbf16> to vector<128x1024xf32>
    %get3A_33 = arith.constant 0 : index
    %get3A_34 = arith.constant 0 : index
    %get3A_35 = vector.load %arg5[%get3A_33, %get3A_34] : memref<1x1024xf32, #tpu.memory_space<vmem>>, vector<1x1024xf32>
    %convert_element_type3A_36 = arith.truncf %get3A_35 : vector<1x1024xf32> to vector<1x1024xbf16>
    %convert_element_type3A_37 = arith.extf %convert_element_type3A_36 : vector<1x1024xbf16> to vector<1x1024xf32>
    %mul3A_38 = vector.broadcast %convert_element_type3A_37 : vector<1x1024xf32> to vector<128x1024xf32>
    %mul3A_39 = arith.mulf %convert_element_type3A_32, %mul3A_38 : vector<128x1024xf32>
    %reduce_sum3A_40 = arith.constant dense<0.000000e+00> : vector<128xf32>
    %reduce_sum3A_41 = vector.multi_reduction <add>, %mul3A_39, %reduce_sum3A_40 [1] : vector<128x1024xf32> to vector<128xf32>
    %broadcast_in_dim3A_42 = vector.shape_cast %reduce_sum3A_41 : vector<128xf32> to vector<128x1xf32>
    %convert_element_type3A_43 = arith.truncf %get3A_7 : f32 to bf16
    %convert_element_type3A_44 = arith.extf %convert_element_type3A_43 : bf16 to f32
    %add3A_45 = vector.broadcast %convert_element_type3A_44 : f32 to vector<128x1xf32>
    %add3A_46 = arith.addf %broadcast_in_dim3A_42, %add3A_45 : vector<128x1xf32>
    %mul3A_47 = vector.broadcast %broadcast_in_dim3A : vector<1x1024xf32> to vector<128x1024xf32>
    %mul3A_48 = arith.mulf %add3A_30, %mul3A_47 : vector<128x1024xf32>
    %reduce_sum3A_49 = arith.constant dense<0.000000e+00> : vector<128xf32>
    %reduce_sum3A_50 = vector.multi_reduction <add>, %mul3A_48, %reduce_sum3A_49 [1] : vector<128x1024xf32> to vector<128xf32>
    %broadcast_in_dim3A_51 = vector.shape_cast %reduce_sum3A_50 : vector<128xf32> to vector<128x1xf32>
    %add3A_52 = arith.addf %broadcast_in_dim3A_51, %add3A_46 : vector<128x1xf32>
    %reshape3A_53 = vector.shape_cast %add3A_52 : vector<128x1xf32> to vector<1x128xf32>
    %get3A_54 = arith.constant 0 : index
    %get3A_55 = arith.constant 0 : index
    %get3A_56 = arith.constant 0 : index
    %get3A_57 = vector.load %arg2[%get3A_54, %get3A_55, %get3A_56] : memref<1x128x128xf32, #tpu.memory_space<vmem>>, vector<1x128x128xf32>
    %get3A_58 = vector.shape_cast %get3A_57 : vector<1x128x128xf32> to vector<128x128xf32>
    %mul3A_59 = vector.broadcast %convert_element_type3A_16 : vector<1x128xf32> to vector<128x128xf32>
    %mul3A_60 = arith.mulf %get3A_58, %mul3A_59 : vector<128x128xf32>
    %reduce_sum3A_61 = arith.constant dense<0.000000e+00> : vector<128xf32>
    %reduce_sum3A_62 = vector.multi_reduction <add>, %mul3A_60, %reduce_sum3A_61 [1] : vector<128x128xf32> to vector<128xf32>
    %broadcast_in_dim3A_63 = vector.shape_cast %reduce_sum3A_62 : vector<128xf32> to vector<128x1xf32>
    %reshape3A_64 = vector.shape_cast %broadcast_in_dim3A_63 : vector<128x1xf32> to vector<1x128xf32>
    %gt3A = arith.constant 0.000000e+00 : f32
    %gt3A_65 = vector.broadcast %gt3A : f32 to vector<1x128xf32>
    %gt3A_66 = arith.cmpf ogt, %reshape3A_64, %gt3A_65 : vector<1x128xf32>
    %div3A = vector.broadcast %get3A_1 : f32 to vector<1x128xf32>
    %div3A_67 = arith.divf %reshape3A_53, %div3A : vector<1x128xf32>
    %jit3A = arith.constant -1.000000e+09 : f32
    %broadcast_in_dim3A_68 = vector.broadcast %jit3A : f32 to vector<1x128xf32>
    %select_n3A = arith.select %gt3A_66, %div3A_67, %broadcast_in_dim3A_68 : vector<1x128xi1>, vector<1x128xf32>
    %reduce_max3A = arith.constant dense<0xFF800000> : vector<1xf32>
    %reduce_max3A_69 = vector.multi_reduction <maximumf>, %select_n3A, %reduce_max3A [1] : vector<1x128xf32> to vector<1xf32>
    %broadcast_in_dim3A_70 = vector.shape_cast %reduce_max3A_69 : vector<1xf32> to vector<1x1xf32>
    %sub3A = vector.broadcast %broadcast_in_dim3A_70 : vector<1x1xf32> to vector<1x128xf32>
    %sub3A_71 = arith.subf %select_n3A, %sub3A : vector<1x128xf32>
    %exp3A = math.exp %sub3A_71 : vector<1x128xf32>
    %reduce_sum3A_72 = arith.constant dense<0.000000e+00> : vector<1xf32>
    %reduce_sum3A_73 = vector.multi_reduction <add>, %exp3A, %reduce_sum3A_72 [1] : vector<1x128xf32> to vector<1xf32>
    %broadcast_in_dim3A_74 = vector.shape_cast %reduce_sum3A_73 : vector<1xf32> to vector<1x1xf32>
    %div3A_75 = vector.broadcast %broadcast_in_dim3A_74 : vector<1x1xf32> to vector<1x128xf32>
    %div3A_76 = arith.divf %exp3A, %div3A_75 : vector<1x128xf32>
    %reduce_sum3A_77 = arith.constant dense<0.000000e+00> : vector<1xf32>
    %reduce_sum3A_78 = vector.multi_reduction <add>, %reshape3A_64, %reduce_sum3A_77 [1] : vector<1x128xf32> to vector<1xf32>
    %broadcast_in_dim3A_79 = vector.shape_cast %reduce_sum3A_78 : vector<1xf32> to vector<1x1xf32>
    %jit3A_80 = arith.constant 1.000000e+00 : f32
    %max3A = vector.broadcast %jit3A_80 : f32 to vector<1x1xf32>
    %max3A_81 = arith.maximumf %max3A, %broadcast_in_dim3A_79 : vector<1x1xf32>
    %div3A_82 = vector.broadcast %max3A_81 : vector<1x1xf32> to vector<1x128xf32>
    %div3A_83 = arith.divf %reshape3A_64, %div3A_82 : vector<1x128xf32>
    %sub3A_84 = arith.constant 1.000000e+00 : f32
    %sub3A_85 = arith.subf %sub3A_84, %get3A_4 : f32
    %mul3A_86 = vector.broadcast %sub3A_85 : f32 to vector<1x128xf32>
    %mul3A_87 = arith.mulf %mul3A_86, %div3A_76 : vector<1x128xf32>
    %mul3A_88 = vector.broadcast %get3A_4 : f32 to vector<1x128xf32>
    %mul3A_89 = arith.mulf %mul3A_88, %div3A_83 : vector<1x128xf32>
    %add3A_90 = arith.addf %mul3A_87, %mul3A_89 : vector<1x128xf32>
    %add3A_91 = arith.constant 9.99999968E-21 : f32
    %add3A_92 = vector.broadcast %add3A_91 : f32 to vector<1x128xf32>
    %add3A_93 = arith.addf %add3A_90, %add3A_92 : vector<1x128xf32>
    %log3A = math.log %add3A_93 : vector<1x128xf32>
    %broadcast_in_dim3A_94 = vector.shape_cast %log3A : vector<1x128xf32> to vector<1x1x128xf32>
    %swap3A = arith.constant 0 : index
    %swap3A_95 = arith.constant 0 : index
    %swap3A_96 = arith.constant 0 : index
    %swap3A_97 = vector.load %arg9[%swap3A, %swap3A_95, %swap3A_96] : memref<1x1x128xf32, #tpu.memory_space<vmem>>, vector<1x1x128xf32>
    tpu.vector_store %arg9[%swap3A, %swap3A_95, %swap3A_96], %broadcast_in_dim3A_94 {strides = array<i32>} : memref<1x1x128xf32, #tpu.memory_space<vmem>>, vector<1x1x128xf32>,
    %get3A_98 = arith.constant 0 : index
    %get3A_99 = arith.constant 0 : index
    %get3A_100 = arith.constant 0 : index
    %get3A_101 = vector.load %arg6[%get3A_98, %get3A_99, %get3A_100] : memref<1x1x128xf32, #tpu.memory_space<vmem>>, vector<1x1x128xf32>
    %get3A_102 = vector.shape_cast %get3A_101 : vector<1x1x128xf32> to vector<1x128xf32>
    %mul3A_103 = arith.mulf %get3A_102, %convert_element_type3A_16 : vector<1x128xf32>
    %reduce_sum3A_104 = arith.constant dense<0.000000e+00> : vector<1xf32>
    %reduce_sum3A_105 = vector.multi_reduction <add>, %mul3A_103, %reduce_sum3A_104 [1] : vector<1x128xf32> to vector<1xf32>
    %broadcast_in_dim3A_106 = vector.shape_cast %reduce_sum3A_105 : vector<1xf32> to vector<1x1xf32>
    %broadcast_in_dim3A_107 = vector.shape_cast %broadcast_in_dim3A_106 : vector<1x1xf32> to vector<1x1x1xf32>
    %swap3A_108 = arith.constant 0 : index
    %swap3A_109 = arith.constant 0 : index
    %swap3A_110 = arith.constant 0 : index
    %swap3A_111 = vector.load %arg10[%swap3A_108, %swap3A_109, %swap3A_110] : memref<1x1x1xf32, #tpu.memory_space<vmem>>, vector<1x1x1xf32>
    tpu.vector_store %arg10[%swap3A_108, %swap3A_109, %swap3A_110], %broadcast_in_dim3A_107 {strides = array<i32>} : memref<1x1x1xf32, #tpu.memory_space<vmem>>, vector<1x1x1xf32>,
    return
  }
  func.func @transform_0(%arg0: i32) -> (i32, i32, i32) {
    %c0_i32 = arith.constant 0 : i32
    %c0_i32_0 = arith.constant 0 : i32
    %c0_i32_1 = arith.constant 0 : i32
    return %arg0, %c0_i32, %c0_i32_0 : i32, i32, i32
  }
  func.func @transform_1(%arg0: i32) -> (i32, i32, i32) {
    %c0_i32 = arith.constant 0 : i32
    %c0_i32_0 = arith.constant 0 : i32
    %c0_i32_1 = arith.constant 0 : i32
    return %arg0, %c0_i32, %c0_i32_0 : i32, i32, i32
  }
  func.func @transform_2(%arg0: i32) -> (i32, i32) {
    %c0_i32 = arith.constant 0 : i32
    %c0_i32_0 = arith.constant 0 : i32
    %c0_i32_1 = arith.constant 0 : i32
    return %c0_i32, %c0_i32_0 : i32, i32
  }
  func.func @transform_3(%arg0: i32) -> (i32, i32) {
    %c0_i32 = arith.constant 0 : i32
    %c0_i32_0 = arith.constant 0 : i32
    %c0_i32_1 = arith.constant 0 : i32
    return %c0_i32, %c0_i32_0 : i32, i32
  }
  func.func @transform_4(%arg0: i32) -> (i32, i32) {
    %c0_i32 = arith.constant 0 : i32
    %c0_i32_0 = arith.constant 0 : i32
    %c0_i32_1 = arith.constant 0 : i32
    return %c0_i32, %c0_i32_0 : i32, i32
  }
  func.func @transform_5(%arg0: i32) -> (i32, i32, i32) {
    %c0_i32 = arith.constant 0 : i32
    %c0_i32_0 = arith.constant 0 : i32
    %c0_i32_1 = arith.constant 0 : i32
    return %arg0, %c0_i32, %c0_i32_0 : i32, i32, i32
  }
  func.func @transform_6(%arg0: i32) -> i32 {
    %c0_i32 = arith.constant 0 : i32
    %c0_i32_0 = arith.constant 0 : i32
    return %c0_i32 : i32
  }
  func.func @transform_7(%arg0: i32) -> (i32, i32) {
    %c0_i32 = arith.constant 0 : i32
    %c0_i32_0 = arith.constant 0 : i32
    %c0_i32_1 = arith.constant 0 : i32
    return %c0_i32, %c0_i32_0 : i32, i32
  }
  func.func @transform_8(%arg0: i32) -> (i32, i32, i32) {
    %c0_i32 = arith.constant 0 : i32
    %c0_i32_0 = arith.constant 0 : i32
    %c0_i32_1 = arith.constant 0 : i32
    return %arg0, %c0_i32, %c0_i32_0 : i32, i32, i32
  }
  func.func @transform_9(%arg0: i32) -> (i32, i32, i32) {
    %c0_i32 = arith.constant 0 : i32
    %c0_i32_0 = arith.constant 0 : i32
    %c0_i32_1 = arith.constant 0 : i32
    return %arg0, %c0_i32, %c0_i32_0 : i32, i32, i32
  }
}

</mosaic_0001>

<sc_bundles>
// kernel: kernel.5.cloned.1.call-start
scs
__scs_entry_jumppad:
0x0: {  	(pc) =	sbr.rel $0x88, $3  }
0x1: {  	(tag) =	ssettag $0x0;
	lr =	simm.s32 $0x1  }
0x2: {  	[smem:$0x3F91] =	sst lr;
	_ =	strace $0xD0000000  }
0x3: {  	_ = 	snop  }
0x4: {  	_ = 	snop  }
0x5: {  	_ = 	snop  }
0x6: {  	_ = 	snop  }
0x7: {  	_ = 	snop  }
__scs_overlays_trampoline_lowered:
0x8: {  	[smem:$0x3FA0] =	sst s0  }
0x9: {  	[smem:$0x3FA1] =	sst s1  }
0xa: {  	[smem:$0x3FA2] =	sst s2  }
0xb: {  	[smem:$0x3FA3] =	sst s3  }
0xc: {  	[smem:$0x3FA4] =	sst s4  }
0xd: {  	[smem:$0x3FA5] =	sst s5  }
0xe: {  	[smem:$0x3FA6] =	sst s6  }
0xf: {  	[smem:$0x3FA7] =	sst s7  }
0x10: {  	[smem:$0x3FA8] =	sst s8  }
0x11: {  	[smem:$0x3FA9] =	sst s9;
	s0 =	simm.s32 @!p0 $0x0  }
0x12: {  	s1 =	sld [smem:$0x3F8F];
	s0 =	simm.s32 @p0 $0x1  }
0x13: {  	[smem:$0x3FAA] =	sst s0;
	s0 =	simm.s32 @!p1 $0x0  }
0x14: {  	s2 =	sld [smem:$0x3F8E];
	s0 =	simm.s32 @p1 $0x1  }
0x15: {  	[smem:$0x3FAB] =	sst s0;
	s0 =	simm.s32 @!p2 $0x0  }
0x16: {  	s3 =	sld [smem:$0x3FDB];
	s0 =	simm.s32 @p2 $0x1  }
0x17: {  	s4 =	simm.s32 $0x1BF5;
	[smem:$0x3FAD] =	sst s0  }
0x18: {  	s0 =	sld [smem:$0x3F90];
	_ =	swait.ge [sflag:s4], $0x0  }
0x19: {  	s7 =	sld [smem:$0x3F91]  }
0x1a: {  	s8 =	sadd.s32 $0xFFFFE003, lr  }
0x1b: {  	s9 =	sadd.s32 $0xFFFFFEF7, lr;
	s5 =	simm.s32 $0xFFFFFFFF;
	p2 =	slt.u32 s8, $0xFFFFF086  }
0x1c: {  	p1 =	slt.u32 s9, $0xF7A;
	s5 =	simm.s32 @!p2 $0x0  }
0x1d: {  	s5 =	simm.s32 @p1 $0x1;
	p0 =	seq.s32 s7, s2  }
0x1e: {  	s7 =	smul.u32 @!p0 $0xF7A, s2;
	p2 =	seq.s32 @!p0 s5, $0x0  }
0x1f: {  	s9 =	smul.u32 $0xF7A, s1;
	s8 =	simm.s32 @!p0 $0x1BF5;
	p2 =	por !p2, p0  }
0x20: {  	[sflag:s8] =	ssyncset.s32 @!p0 $0xFFFFF086;
	s6 =	sadd.s32 @!p0 s3, s7;
	s7 =	simm.s32 @!p0 $0x108  }
0x21: {  	s3 =	sadd.s32 s3, s9;
	s6 =	sadd.s32 @!p0 $0x88, s6;
	s7 =	simm.s32 @p2 $0x1082  }
0x22: {  	[simem:s7], [sflag:s8] =	dma.local @!p0 [hbm:s6], $0xF7A  }
0x23: {  	s9 =	sor.u32 $0xD0000000, s2;
	s6 =	simm.s32 $0x108;
	_ =	swait.ge @!p0 [sflag:s8], $0x0  }
0x24: {  	s3 =	sadd.s32 $0x88, s3;
	s6 =	simm.s32 @!p1 $0x1082;
	[sflag:s4] =	ssyncset.s32 $0xFFFFF086  }
0x25: {  	[simem:s6], [sflag:s4] =	dma.local [hbm:s3], $0xF7A  }
0x26: {  	[smem:$0x3F91] =	sst s1;
	(tag) =	ssettag s2;
	_ =	strace s9  }
0x27: {  	s1 =	sld [smem:$0x3FA1]  }
0x28: {  	s2 =	sld [smem:$0x3FA2]  }
0x29: {  	s4 =	sld [smem:$0x3FA4]  }
0x2a: {  	p0 =	seq.s32 s5, $0x0;
	s5 =	sld [smem:$0x3FA5]  }
0x2b: {  	s6 =	sld [smem:$0x3FA6]  }
0x2c: {  	s7 =	sld [smem:$0x3FA7]  }
0x2d: {  	s3 =	simm.s32 $0x108;
	s8 =	sld [smem:$0x3FA8]  }
0x2e: {  	s3 =	simm.s32 @!p0 $0x1082;
	s9 =	sld [smem:$0x3FA9]  }
0x2f: {  	lr =	sadd.s32 s0, s3;
	s0 =	sld [smem:$0x3FA0]  }
0x30: {  	s3 =	sld [smem:$0x3FA3]  }
0x31: {  	[smem:$0x3FAC] =	sst s10  }
0x32: {  	s10 =	sld [smem:$0x3FAA];
	_ =	sdelay $0x3  }
0x33: {  	p0 =	seq.s32 s10, $0x1;
	s10 =	sld [smem:$0x3FAC];
	_ =	sdelay $0x3  }
0x34: {  	[smem:$0x3FAC] =	sst s10  }
0x35: {  	s10 =	sld [smem:$0x3FAB];
	_ =	sdelay $0x3  }
0x36: {  	p1 =	seq.s32 s10, $0x1;
	s10 =	sld [smem:$0x3FAC];
	_ =	sdelay $0x3  }
0x37: {  	[smem:$0x3FAC] =	sst s10  }
0x38: {  	s10 =	sld [smem:$0x3FAD]  }
0x39: {  	_ = 	snop;
	(pc) =	sbr.ind lr, $3  }
0x3a: {  	_ = 	snop  }
0x3b: {  	_ = 	snop  }
0x3c: {  	p2 =	seq.s32 s10, $0x1;
	s10 =	sld [smem:$0x3FAC]  }
0x3d: {  	_ =	shalt  }
0x3e: {  	_ =	shalt  }
0x3f: {  	_ =	shalt  }
0x40: {  	_ =	shalt  }
0x41: {  	_ =	shalt  }
0x42: {  	_ =	shalt  }
0x43: {  	_ =	shalt  }
0x44: {  	_ =	shalt  }
0x45: {  	_ =	shalt  }
0x46: {  	_ =	shalt  }
0x47: {  	_ =	shalt  }
0x48: {  	_ =	shalt  }
0x49: {  	_ =	shalt  }
0x4a: {  	_ =	shalt  }
0x4b: {  	_ =	shalt  }
0x4c: {  	_ =	shalt  }
0x4d: {  	_ =	shalt  }
0x4e: {  	_ =	shalt  }
0x4f: {  	_ =	shalt  }
0x50: {  	_ =	shalt  }
0x51: {  	_ =	shalt  }
0x52: {  	_ =	shalt  }
0x53: {  	_ =	shalt  }
0x54: {  	_ =	shalt  }
0x55: {  	_ =	shalt  }
0x56: {  	_ =	shalt  }
0x57: {  	_ =	shalt  }
0x58: {  	_ =	shalt  }
0x59: {  	_ =	shalt  }
0x5a: {  	_ =	shalt  }
0x5b: {  	_ =	shalt  }
0x5c: {  	_ =	shalt  }
0x5d: {  	_ =	shalt  }
0x5e: {  	_ =	shalt  }
0x5f: {  	_ =	shalt  }
0x60: {  	_ =	shalt  }
0x61: {  	_ =	shalt  }
0x62: {  	_ =	shalt  }
0x63: {  	_ =	shalt  }
0x64: {  	_ =	shalt  }
0x65: {  	_ =	shalt  }
0x66: {  	_ =	shalt  }
0x67: {  	_ =	shalt  }
0x68: {  	_ =	shalt  }
0x69: {  	_ =	shalt  }
0x6a: {  	_ =	shalt  }
0x6b: {  	_ =	shalt  }
0x6c: {  	_ =	shalt  }
0x6d: {  	_ =	shalt  }
0x6e: {  	_ =	shalt  }
0x6f: {  	_ =	shalt  }
0x70: {  	_ =	shalt  }
0x71: {  	_ =	shalt  }
0x72: {  	_ =	shalt  }
0x73: {  	_ =	shalt  }
0x74: {  	_ =	shalt  }
0x75: {  	_ =	shalt  }
0x76: {  	_ =	shalt  }
0x77: {  	_ =	shalt  }
0x78: {  	_ =	shalt  }
0x79: {  	_ =	shalt  }
0x7a: {  	_ =	shalt  }
0x7b: {  	_ =	shalt  }
0x7c: {  	_ =	shalt  }
0x7d: {  	_ =	shalt  }
0x7e: {  	_ =	shalt  }
0x7f: {  	_ =	shalt  }
0x80: {  	_ =	shalt  }
0x81: {  	_ =	shalt  }
0x82: {  	_ =	shalt  }
0x83: {  	_ =	shalt  }
0x84: {  	_ =	shalt  }
0x85: {  	_ =	shalt  }
0x86: {  	_ =	shalt  }
0x87: {  	_ =	shalt  }
.Lfunc_end0:
.L_simem_size_0:
called_computation_lowered:
.L_overlay_start_0:
0x88: {  	s2 =	sld [smem:$0x3FD9]  }
0x89: {  	s3 =	sld [smem:$0x3FFE];
	_ =	sdelay $0x1  }
0x8a: {  	s1 =	srdreg.scid  }
0x8b: {  	s0 =	sand.u32 $0x1, s1  }
0x8c: {  	s14 =	sshll.u32 s0, $0xA;
	s2 =	sadd.s32 s3, s2  }
0x8d: {  	s2 =	sadd.s32 s2, s14  }
0x8e: {  	[smem:$0x3FB8] =	sst s2  }
0x8f: {  	_ = 	snop  }
0x90: {  	s2 =	sld [smem:$0x3FD0];
	_ =	sdelay $0x2  }
0x91: {  	s15 =	simm.s32 $0xA;
	s4 =	simm.s32 $0x10  }
0x92: {  	[smem:s4], [sflag:s15] =	dma.local [hbm:s2], $0x1  }
0x93: {  	_ =	swait.eq [sflag:s15], $0x1  }
0x94: {  	[sflag:s15] =	ssyncset.done $0x0  }
0x95: {  	[sflag:s15] =	ssyncadd.s32 $0xFFFFFFFF  }
0x96: {  	s16 =	sld [smem:$0x14];
	(tm) =	ssettm $0x1  }
0x97: {  	s17 =	sld [smem:$0x3FFB];
	_ =	sdelay $0x3  }
0x98: {  	_ =	strace s17  }
0x99: {  	s3 =	sld [smem:$0x3FFC];
	_ =	sdelay $0x3  }
0x9a: {  	_ =	strace s3  }
0x9b: {  	s3 =	sld [smem:$0x3FFD];
	_ =	sdelay $0x3  }
0x9c: {  	_ =	strace s3  }
0x9d: {  	_ =	strace $0x8FFFFFFF  }
0x9e: {  	s18 =	sld [smem:$0x3FDB];
	_ =	sdelay $0x1  }
0x9f: {  	s19 =	simm.s32 $_scs_section_size  }
0xa0: {  	s5 =	simm.s32 $_size__tile_overlayer_lowered;
	s6 =	simm.s32 $_tile_overlayer_lowered  }
0xa1: {  	s22 =	simm.s32 $0x1BFF;
	s21 =	sshll.u32 s6, $0x1;
	s3 =	sadd.s32 s19, s18  }
0xa2: {  	s7 =	simm.s32 $0x0;
	s20 =	sshll.u32 s5, $0x1;
	s5 =	sadd.s32 s21, s3  }
0xa3: {  	[timem:s7], [sflag:s22] =	dma.local [hbm:s5], s20  }
0xa4: {  	_ =	swait.ge [sflag:s22], s20  }
0xa5: {  	s4 =	ssub.s32 $0x0, s20;
	[sflag:s22] =	ssyncset.done $0x0  }
0xa6: {  	[sflag:s22] =	ssyncadd.s32 s4;
	_ =	sdelay $0x1  }
0xa7: {  	s23 =	simm.s32 $0x1B8B  }
0xa8: {  	_ =	swait.ge [sflag:s23], $0x1  }
0xa9: {  	[sflag:s23] =	ssyncset.done $0x0  }
0xaa: {  	s25 =	simm.s32 $0x1B8E;
	s24 =	sld [smem:$0x3FFE];
	[sflag:s23] =	ssyncadd.s32 $0xFFFFFFFF  }
0xab: {  	s26 =	simm.s32 $execute0_lowered;
	[smem:$0x3FD2] =	sst s25  }
0xac: {  	s5 =	sshll.u32 s26, $0x1;
	_ =	strace $0x80000046;
	[dreg:$0x1] =	wrdreg $0xFFFFFFFF  }
0xad: {  	s28 =	simm.s32 $_size_execute0_lowered;
	s3 =	sadd.s32 s3, s5;
	[dreg:$0x0] =	wrdreg $0x0  }
0xae: {  	s5 =	sshll.u32 s28, $0x1;
	[dreg:$0x2] =	wrdreg s3  }
0xaf: {  	[dreg:$0x3] =	wrdreg s5  }
0xb0: {  	[dreg:$0x4] =	wrdreg $0xC0  }
0xb1: {  	_ =	task [dreg:s7], $0x5FFFF  }
0xb2: {  	[dreg:$0x1] =	wrdreg $0xFFFFFFFF  }
0xb3: {  	[dreg:$0x0] =	wrdreg $0x60  }
0xb4: {  	[dreg:$0x2] =	wrdreg s24  }
0xb5: {  	[dreg:$0x3] =	wrdreg s16  }
0xb6: {  	[dreg:$0x4] =	wrdreg $0xD0000  }
0xb7: {  	[dreg:$0x5] =	wrdreg $0x9  }
0xb8: {  	_ =	task.clear_ibuf [dreg:s7], $0x6FFFF;
	_ =	strace $0x90000046  }
0xb9: {  	s29 =	simm.s32 $0x9;
	_ =	strace $0x80000048  }
0xba: {  	_ =	swait.ge [sflag:s29], $0x1  }
0xbb: {  	[sflag:s29] =	ssyncadd.s32 $0xFFFFFFFF  }
0xbc: {  	_ =	strace $0x90000048  }
0xbd: {  	_ =	sfence  }
0xbe: {  	s30 =	sld [smem:$0x0];
	_ =	sdelay $0x2  }
0xbf: {  	s31 =	sshll.u32 s1, $0xD;
	s1 =	sshrl.u32 s1, $0x2  }
0xc0: {  	s3 =	sand.u32 $0x4000, s31;
	s1 =	sadd.s32 s1, s30  }
0xc1: {  	s0 =	sor.u32 s3, s0;
	s1 =	sshll.u32 s1, $0x11  }
0xc2: {  	s0 =	sor.u32 s1, s0  }
0xc3: {  	s0 =	sadd.s32 $0x8F2B, s0  }
0xc4: {  	[sflag:s0] =	ssyncadd.remote.s32 $0x1  }
0xc5: {  	_ =	sfence.sel $0xFFFF  }
0xc6: {  	[dreg:$0x0] =	wrdreg $0xFFFFFFFF;
	(pc) =	sbr.abs _section_cstart, $3  }
0xc7: {  	[dreg:$0x1] =	wrdreg $0xFFFFFFFF  }
0xc8: {  	_ =	task.clear_ibuf [dreg:s7], $0x2FFFF;
	_ =	strace $0x9FFFFFFF  }
0xc9: {  	(tm) =	ssettm $0x7FFFFFFF  }
tec
execute0_lowered:
.L_overlay_start_1:
0x0: {  	(tag) =	ssettag $0x1  }
0x1: {  	s0 =	rddreg [dreg:$0x0]  }
0x2: {  	s2 =	rddreg [dreg:$0x2]  }
0x3: {  	s4 =	simm.s32 $0x0;
	s16 =	stileid.u32;
	s1 =	srdreg.scid  }
0x4: {  	s18 =	simm.s32 $0x20;
	s28 =	simm.s32 $0x1;
	s29 =	simm.s32 $0x5  }
0x5: {  	s30 =	simm.s32 $0x2;
	s31 =	simm.s32 $0x6;
	[smem:$0x7FF] =	sst s4  }
0x6: {  	s5 =	sadd.s32 $0x4000, s0;
	s3 =	sshll.u32 s16, $0xD;
	s7 =	sand.u32 $0x1, s1  }
0x7: {  	s9 =	sadd.s32 $0x104000, s0;
	s10 =	sadd.s32 $0xE4000, s0;
	s12 =	sadd.s32 $0xC4000, s0  }
0x8: {  	s13 =	sadd.s32 $0xA4000, s0;
	s14 =	sshll.u32 s16, $0x9;
	s21 =	sshll.u32 s16, $0x10  }
0x9: {  	s26 =	sshll.u32 s16, $0x6;
	s1 =	simm.s32 $0x4;
	_ =	strace $0x80000047  }
0xa: {  	s19 =	sadd.s32 s3, s0;
	s6 =	sshll.u32 s7, $0xC;
	s8 =	ssub.s32 $0x2, s7  }
0xb: {  	p0 =	seq.s32 s7, $0x0;
	s16 =	sor.u32 $0x1C09, s26;
	s26 =	simm.s32 $0xA000  }
0xc: {  	v0 =	vmov s7;
	s7 =	simm.s32 $0x0;
	s6 =	sor.u32 s6, s3;
	s20 =	sshrl.u32 s8, $0x1  }
0xd: {  	s10 =	smov.u32 @p0 s9;
	s13 =	smov.u32 @p0 s12;
	s6 =	sshrl.u32 s6, $0x3  }
0xe: {  	s15 =	ssub.s32 s8, s20;
	s8 =	sadd.s32 $0x84000, s19;
	s25 =	sadd.s32 s10, s3  }
0xf: {  	s12 =	sadd.s32 s13, s3;
	s13 =	simm.s32 $0x9;
	s20 =	simm.s32 $0x4000  }
0x10: {  	s3 =	simm.s32 $0x7;
	s19 =	simm.s32 $0x1F80;
	s11 =	sadd.s32 s6, s0  }
0x11: {  	s6 =	sadd.s32 s0, s14;
	s0 =	sadd.s32 s21, s2;
	s24 =	smax.u32 s15, $0x1  }
0x12: {  	[dreg:$0x7] =	wrdreg s25;
	s15 =	simm.s32 $0xC000;
	s14 =	simm.s32 $0x8  }
0x13: {  	s21 =	simm.s32 $0x1FA0;
	s25 =	simm.s32 $0x1FE0;
	s22 =	sadd.s32 $0x2000, s6  }
0x14: {  	s23 =	sadd.s32 $0x124000, s11;
	[dreg:$0x6] =	wrdreg s24;
	s17 =	sshrl.u32 s0, $0x3  }
0x15: {  	s24 =	simm.s32 $0x8000;
	s0 =	simm.s32 $0x3;
	[dreg:$0x4] =	wrdreg s22  }
0x16: {  	v2 =	vimm.f32 $1.000000000e+00;
	v1 =	vor.u32 $0x2, v0;
	[dreg:$0x5] =	wrdreg s23;
	s22 =	simm.s32 $0x6000;
	s23 =	simm.s32 $0x1FC0  }
.LBB2_1:
0x17: {  	s9 =	rddreg [dreg:$0x4]  }
0x18: {  	[tilespmem:s4], [sflag:$0x9] =	stream.linear.gather [hbm4b:s9+s4], $0x1000, $0x38;
	[tilespmem:$0x1D000] =	vst v63  }
0x19: {  	_ =	swait.ge [sflag:s13], $0x1000  }
0x1a: {  	[sflag:s13] =	ssyncset.done $0x0  }
0x1b: {  	s10 =	simm.s32 $0x1000;
	[sflag:s13] =	ssyncadd.s32 $0xFFFFF000  }
0x1c: {  	[tilespmem:s10], [sflag:$0x9] =	stream.linear.gather [hbm4b:s6+s4], $0x1000, $0x38;
	[tilespmem:$0x1D000] =	vst v63  }
0x1d: {  	_ =	swait.ge [sflag:s13], $0x1000  }
0x1e: {  	[sflag:s13] =	ssyncset.done $0x0  }
0x1f: {  	[sflag:s13] =	ssyncadd.s32 $0xFFFFF000  }
0x20: {  	s11 =	rddreg [dreg:$0x1]  }
0x21: {  	[tilespmem:s15], [sflag:$0x9] =	stream.linear.gather [hbm4b:s11+s4], $0x1000, $0x38;
	[tilespmem:$0x1D000] =	vst v63  }
0x22: {  	_ =	swait.ge [sflag:s13], $0x1000  }
0x23: {  	[sflag:s13] =	ssyncset.done $0x0  }
0x24: {  	s9 =	simm.s32 $0x0;
	[sflag:s13] =	ssyncadd.s32 $0xFFFFF000  }
0x25: {  	v3 =	vld [tilespmem:s9+$0x0]  }
0x26: {  	s10 =	simm.s32 $0x40  }
.LBB2_2:
0x27: {  	_ = 	snop  }
0x28: {  	p0 =	sne.s32 s10, $0x3FC0  }
.Ltmp0:
0x29: {  	_ = 	snop;
	(pc) =	sbr.rel @p0 .LBB2_2-.Ltmp0, $4  }
0x2a: {  	v4 =	vshll.u32 v3, $0x2  }
0x2b: {  	s11 =	sshra.s32 s10, $0x2;
	v5 =	vor.u32 v0, v4;
	v4 =	vor.u32 v1, v4  }
0x2c: {  	v3 =	vld [tilespmem:s11+$0x0];
	[tilespmem:s9+$0x3000] =	vst v4  }
0x2d: {  	s10 =	sadd.s32 $0x40, s10;
	[tilespmem:s9+$0x2000] =	vst v5;
	s9 =	smov.u32 s11  }
0x2e: {  	_ =	sdelay $0x2  }
0x2f: {  	v3 =	vshll.u32 v3, $0x2  }
0x30: {  	v4 =	vor.u32 v1, v3  }
0x31: {  	s10 =	simm.s32 $0x0;
	v3 =	vor.u32 v0, v3;
	[tilespmem:s9+$0x3000] =	vst v4  }
0x32: {  	s10 =	sand.u32 $0xFF0, s10;
	[tilespmem:s9+$0x2000] =	vst v3;
	s9 =	simm.s32 $0x10  }
.LBB2_4:
0x33: {  	p0 =	sne.s32 s9, $0xFF0;
	v3 =	vld [tilespmem:s10+$0x1000];
	_ =	sdelay $0x3  }
.Ltmp1:
0x34: {  	(pc) =	sbr.rel @p0 .LBB2_4-.Ltmp1, $2  }
0x35: {  	_ =	sdelay $0x2  }
0x36: {  	s10 =	sand.u32 $0xFF0, s9;
	s9 =	sadd.s32 $0x10, s9;
	[tilespmem:v3+s15+$0x0] =	vst.idx.add.f32.msk $0xffff, v2  }
0x37: {  	v3 =	vld [tilespmem:s10+$0x1000];
	_ =	sdelay $0x7  }
0x38: {  	[tilespmem:v3+s15+$0x0] =	vst.idx.add.f32.msk $0xffff, v2  }
0x39: {  	[spmem:s17], [sflag:s16] =	dma.local [hbm:s8], $0x2000  }
0x3a: {  	_ =	swait.ge [sflag:s13], $0x2000  }
0x3b: {  	[sflag:s13] =	ssyncset.done $0x0  }
0x3c: {  	[sflag:s13] =	ssyncadd.s32 $0xFFFFE000  }
0x3d: {  	s9 =	simm.s32 $0x2000;
	[bflag:$0x0] =	sbarrier.arrive $0xFFFF  }
0x3e: {  	[tilespmem:s20], [sflag:$0x1] =	stream.indirect.gather [hbm4b:s5+s18], $0x100, s9, s18, $0xb8;
	[tilespmem:$0x1D000] =	vst v63  }
0x3f: {  	s10 =	simm.s32 $0x2020  }
0x40: {  	[tilespmem:s22], [sflag:$0x2] =	stream.indirect.gather [hbm4b:s5+s18], $0x100, s10, s18, $0xb8;
	[tilespmem:$0x1D000] =	vst v63  }
0x41: {  	s11 =	simm.s32 $0x2040  }
0x42: {  	[tilespmem:s24], [sflag:$0x3] =	stream.indirect.gather [hbm4b:s5+s18], $0x100, s11, s18, $0xb8;
	[tilespmem:$0x1D000] =	vst v63  }
0x43: {  	s10 =	simm.s32 $0x2060  }
0x44: {  	[tilespmem:s26], [sflag:$0x4] =	stream.indirect.gather [hbm4b:s5+s18], $0x100, s10, s18, $0xb8;
	[tilespmem:$0x1D000] =	vst v63  }
0x45: {  	_ =	swait.ge [sflag:s28], $0x2000  }
0x46: {  	[sflag:s28] =	ssyncset.done $0x0  }
0x47: {  	s11 =	simm.s32 $0x1000;
	[sflag:s28] =	ssyncadd.s32 $0xFFFFE000  }
0x48: {  	[spmem:s2] =	stream.indirect.scatter.add.f32 [tilespmem:s20], [sflag:$0x5], $0x100, s11, s18, $0xb8;
	[tilespmem:$0x1D000] =	vst v63  }
0x49: {  	_ =	swait.ge [sflag:s29], $0x2000  }
0x4a: {  	[sflag:s29] =	ssyncset.done $0x0  }
0x4b: {  	s10 =	simm.s32 $0x2080;
	[sflag:s29] =	ssyncadd.s32 $0xFFFFE000  }
0x4c: {  	[tilespmem:s20], [sflag:$0x1] =	stream.indirect.gather [hbm4b:s5+s18], $0x100, s10, s18, $0xb8;
	[tilespmem:$0x1D000] =	vst v63  }
0x4d: {  	_ =	swait.ge [sflag:s30], $0x2000  }
0x4e: {  	[sflag:s30] =	ssyncset.done $0x0  }
0x4f: {  	s11 =	simm.s32 $0x1020;
	[sflag:s30] =	ssyncadd.s32 $0xFFFFE000  }
0x50: {  	[spmem:s2] =	stream.indirect.scatter.add.f32 [tilespmem:s22], [sflag:$0x6], $0x100, s11, s18, $0xb8;
	[tilespmem:$0x1D000] =	vst v63  }
0x51: {  	_ =	swait.ge [sflag:s31], $0x2000  }
0x52: {  	[sflag:s31] =	ssyncset.done $0x0  }
0x53: {  	s10 =	simm.s32 $0x20A0;
	[sflag:s31] =	ssyncadd.s32 $0xFFFFE000  }
0x54: {  	[tilespmem:s22], [sflag:$0x2] =	stream.indirect.gather [hbm4b:s5+s18], $0x100, s10, s18, $0xb8;
	[tilespmem:$0x1D000] =	vst v63  }
0x55: {  	_ =	swait.ge [sflag:s0], $0x2000  }
0x56: {  	[sflag:s0] =	ssyncset.done $0x0  }
0x57: {  	s11 =	simm.s32 $0x1040;
	[sflag:s0] =	ssyncadd.s32 $0xFFFFE000  }
0x58: {  	[spmem:s2] =	stream.indirect.scatter.add.f32 [tilespmem:s24], [sflag:$0x7], $0x100, s11, s18, $0xb8;
	[tilespmem:$0x1D000] =	vst v63  }
0x59: {  	_ =	swait.ge [sflag:s3], $0x2000  }
0x5a: {  	[sflag:s3] =	ssyncset.done $0x0  }
0x5b: {  	s10 =	simm.s32 $0x20C0;
	[sflag:s3] =	ssyncadd.s32 $0xFFFFE000  }
0x5c: {  	[tilespmem:s24], [sflag:$0x3] =	stream.indirect.gather [hbm4b:s5+s18], $0x100, s10, s18, $0xb8;
	[tilespmem:$0x1D000] =	vst v63  }
0x5d: {  	_ =	swait.ge [sflag:s1], $0x2000  }
0x5e: {  	[sflag:s1] =	ssyncset.done $0x0  }
0x5f: {  	s11 =	simm.s32 $0x1060;
	[sflag:s1] =	ssyncadd.s32 $0xFFFFE000  }
0x60: {  	[spmem:s2] =	stream.indirect.scatter.add.f32 [tilespmem:s26], [sflag:$0x8], $0x100, s11, s18, $0xb8;
	[tilespmem:$0x1D000] =	vst v63  }
0x61: {  	_ =	swait.ge [sflag:s14], $0x2000  }
0x62: {  	[sflag:s14] =	ssyncset.done $0x0  }
0x63: {  	s9 =	simm.s32 $0x200;
	s10 =	simm.s32 $0x20E0;
	[sflag:s14] =	ssyncadd.s32 $0xFFFFE000  }
.LBB2_6:
0x64: {  	[tilespmem:s26], [sflag:$0x4] =	stream.indirect.gather [hbm4b:s5+s18], $0x100, s10, s18, $0xb8;
	[tilespmem:$0x1D000] =	vst v63  }
0x65: {  	s10 =	smov.u32 s9  }
0x66: {  	p0 =	sne.s32 s9, $0x3C00;
	s9 =	sadd.s32 $0x200, s9;
	_ =	swait.ge [sflag:s28], $0x2000  }
0x67: {  	s10 =	sshra.s32 s10, $0x2;
	[sflag:s28] =	ssyncset.done $0x0  }
0x68: {  	s11 =	sadd.s32 $0x1000, s10;
	[sflag:s28] =	ssyncadd.s32 $0xFFFFE000  }
0x69: {  	[spmem:s2] =	stream.indirect.scatter.add.f32 [tilespmem:s20], [sflag:$0x5], $0x100, s11, s18, $0xb8;
	[tilespmem:$0x1D000] =	vst v63  }
0x6a: {  	_ =	swait.ge [sflag:s29], $0x2000  }
0x6b: {  	[sflag:s29] =	ssyncset.done $0x0  }
0x6c: {  	s11 =	sadd.s32 $0x2080, s10;
	[sflag:s29] =	ssyncadd.s32 $0xFFFFE000  }
0x6d: {  	[tilespmem:s20], [sflag:$0x1] =	stream.indirect.gather [hbm4b:s5+s18], $0x100, s11, s18, $0xb8;
	[tilespmem:$0x1D000] =	vst v63  }
0x6e: {  	_ =	swait.ge [sflag:s30], $0x2000  }
0x6f: {  	[sflag:s30] =	ssyncset.done $0x0  }
0x70: {  	s11 =	sadd.s32 $0x1020, s10;
	[sflag:s30] =	ssyncadd.s32 $0xFFFFE000  }
0x71: {  	[spmem:s2] =	stream.indirect.scatter.add.f32 [tilespmem:s22], [sflag:$0x6], $0x100, s11, s18, $0xb8;
	[tilespmem:$0x1D000] =	vst v63  }
0x72: {  	_ =	swait.ge [sflag:s31], $0x2000  }
0x73: {  	[sflag:s31] =	ssyncset.done $0x0  }
0x74: {  	s11 =	sadd.s32 $0x20A0, s10;
	[sflag:s31] =	ssyncadd.s32 $0xFFFFE000  }
0x75: {  	[tilespmem:s22], [sflag:$0x2] =	stream.indirect.gather [hbm4b:s5+s18], $0x100, s11, s18, $0xb8;
	[tilespmem:$0x1D000] =	vst v63  }
0x76: {  	_ =	swait.ge [sflag:s0], $0x2000  }
0x77: {  	[sflag:s0] =	ssyncset.done $0x0  }
0x78: {  	s11 =	sadd.s32 $0x1040, s10;
	[sflag:s0] =	ssyncadd.s32 $0xFFFFE000  }
0x79: {  	[spmem:s2] =	stream.indirect.scatter.add.f32 [tilespmem:s24], [sflag:$0x7], $0x100, s11, s18, $0xb8;
	[tilespmem:$0x1D000] =	vst v63  }
0x7a: {  	_ =	swait.ge [sflag:s3], $0x2000  }
0x7b: {  	[sflag:s3] =	ssyncset.done $0x0  }
0x7c: {  	s11 =	sadd.s32 $0x20C0, s10;
	[sflag:s3] =	ssyncadd.s32 $0xFFFFE000  }
0x7d: {  	[tilespmem:s24], [sflag:$0x3] =	stream.indirect.gather [hbm4b:s5+s18], $0x100, s11, s18, $0xb8;
	[tilespmem:$0x1D000] =	vst v63  }
0x7e: {  	_ =	swait.ge [sflag:s1], $0x2000  }
0x7f: {  	[sflag:s1] =	ssyncset.done $0x0  }
.Ltmp2:
0x80: {  	s11 =	sadd.s32 $0x1060, s10;
	[sflag:s1] =	ssyncadd.s32 $0xFFFFE000;
	(pc) =	sbr.rel @p0 .LBB2_6-.Ltmp2, $4  }
0x81: {  	[spmem:s2] =	stream.indirect.scatter.add.f32 [tilespmem:s26], [sflag:$0x8], $0x100, s11, s18, $0xb8;
	[tilespmem:$0x1D000] =	vst v63  }
0x82: {  	_ =	swait.ge [sflag:s14], $0x2000  }
0x83: {  	[sflag:s14] =	ssyncset.done $0x0  }
0x84: {  	s10 =	sadd.s32 $0x20E0, s10;
	[sflag:s14] =	ssyncadd.s32 $0xFFFFE000  }
0x85: {  	[tilespmem:s26], [sflag:$0x4] =	stream.indirect.gather [hbm4b:s5+s18], $0x100, s10, s18, $0xb8;
	[tilespmem:$0x1D000] =	vst v63  }
0x86: {  	_ =	swait.ge [sflag:s28], $0x2000  }
0x87: {  	[sflag:s28] =	ssyncset.done $0x0  }
0x88: {  	[sflag:s28] =	ssyncadd.s32 $0xFFFFE000  }
0x89: {  	[spmem:s2] =	stream.indirect.scatter.add.f32 [tilespmem:s20], [sflag:$0x5], $0x100, s19, s18, $0xb8;
	[tilespmem:$0x1D000] =	vst v63  }
0x8a: {  	_ =	swait.ge [sflag:s30], $0x2000  }
0x8b: {  	[sflag:s30] =	ssyncset.done $0x0  }
0x8c: {  	[sflag:s30] =	ssyncadd.s32 $0xFFFFE000  }
0x8d: {  	[spmem:s2] =	stream.indirect.scatter.add.f32 [tilespmem:s22], [sflag:$0x6], $0x100, s21, s18, $0xb8;
	[tilespmem:$0x1D000] =	vst v63  }
0x8e: {  	_ =	swait.ge [sflag:s0], $0x2000  }
0x8f: {  	[sflag:s0] =	ssyncset.done $0x0  }
0x90: {  	[sflag:s0] =	ssyncadd.s32 $0xFFFFE000  }
0x91: {  	[spmem:s2] =	stream.indirect.scatter.add.f32 [tilespmem:s24], [sflag:$0x7], $0x100, s23, s18, $0xb8;
	[tilespmem:$0x1D000] =	vst v63  }
0x92: {  	_ =	swait.ge [sflag:s1], $0x2000  }
0x93: {  	[sflag:s1] =	ssyncset.done $0x0  }
0x94: {  	[sflag:s1] =	ssyncadd.s32 $0xFFFFE000  }
0x95: {  	[spmem:s2] =	stream.indirect.scatter.add.f32 [tilespmem:s26], [sflag:$0x8], $0x100, s25, s18, $0xb8;
	[tilespmem:$0x1D000] =	vst v63  }
0x96: {  	_ =	swait.ge [sflag:s29], $0x2000  }
0x97: {  	[sflag:s29] =	ssyncset.done $0x0  }
0x98: {  	[sflag:s29] =	ssyncadd.s32 $0xFFFFE000  }
0x99: {  	_ =	swait.ge [sflag:s31], $0x2000  }
0x9a: {  	[sflag:s31] =	ssyncset.done $0x0  }
0x9b: {  	[sflag:s31] =	ssyncadd.s32 $0xFFFFE000  }
0x9c: {  	_ =	swait.ge [sflag:s3], $0x2000  }
0x9d: {  	[sflag:s3] =	ssyncset.done $0x0  }
0x9e: {  	[sflag:s3] =	ssyncadd.s32 $0xFFFFE000  }
0x9f: {  	_ =	swait.ge [sflag:s14], $0x2000  }
0xa0: {  	[sflag:s14] =	ssyncset.done $0x0  }
0xa1: {  	[sflag:s14] =	ssyncadd.s32 $0xFFFFE000  }
0xa2: {  	[bflag:$0x0] =	sbarrier.arrive $0xFFFF  }
0xa3: {  	s9 =	rddreg [dreg:$0x7]  }
0xa4: {  	[hbm:s9], [sflag:s16] =	dma.local [spmem:s17], $0x2000  }
0xa5: {  	_ =	swait.ge [sflag:s13], $0x2000  }
0xa6: {  	[sflag:s13] =	ssyncset.done $0x0  }
0xa7: {  	[sflag:s13] =	ssyncadd.s32 $0xFFFFE000  }
0xa8: {  	[bflag:$0x0] =	sbarrier.arrive $0xFFFF  }
0xa9: {  	[spmem:s17], [sflag:s16] =	dma.local [hbm:s8], $0x2000  }
0xaa: {  	_ =	swait.ge [sflag:s13], $0x2000  }
0xab: {  	[sflag:s13] =	ssyncset.done $0x0  }
0xac: {  	[sflag:s13] =	ssyncadd.s32 $0xFFFFE000  }
0xad: {  	s11 =	simm.s32 $0x3000;
	[bflag:$0x0] =	sbarrier.arrive $0xFFFF  }
0xae: {  	[tilespmem:s20], [sflag:$0x1] =	stream.indirect.gather [hbm4b:s5+s18], $0x100, s11, s18, $0xb8;
	[tilespmem:$0x1D000] =	vst v63  }
0xaf: {  	s10 =	simm.s32 $0x3020  }
0xb0: {  	[tilespmem:s22], [sflag:$0x2] =	stream.indirect.gather [hbm4b:s5+s18], $0x100, s10, s18, $0xb8;
	[tilespmem:$0x1D000] =	vst v63  }
0xb1: {  	s11 =	simm.s32 $0x3040  }
0xb2: {  	[tilespmem:s24], [sflag:$0x3] =	stream.indirect.gather [hbm4b:s5+s18], $0x100, s11, s18, $0xb8;
	[tilespmem:$0x1D000] =	vst v63  }
0xb3: {  	s10 =	simm.s32 $0x3060  }
0xb4: {  	[tilespmem:s26], [sflag:$0x4] =	stream.indirect.gather [hbm4b:s5+s18], $0x100, s10, s18, $0xb8;
	[tilespmem:$0x1D000] =	vst v63  }
0xb5: {  	_ =	swait.ge [sflag:s28], $0x2000  }
0xb6: {  	[sflag:s28] =	ssyncset.done $0x0  }
0xb7: {  	s11 =	simm.s32 $0x1000;
	[sflag:s28] =	ssyncadd.s32 $0xFFFFE000  }
0xb8: {  	[spmem:s2] =	stream.indirect.scatter.add.f32 [tilespmem:s20], [sflag:$0x5], $0x100, s11, s18, $0xb8;
	[tilespmem:$0x1D000] =	vst v63  }
0xb9: {  	_ =	swait.ge [sflag:s29], $0x2000  }
0xba: {  	[sflag:s29] =	ssyncset.done $0x0  }
0xbb: {  	s10 =	simm.s32 $0x3080;
	[sflag:s29] =	ssyncadd.s32 $0xFFFFE000  }
0xbc: {  	[tilespmem:s20], [sflag:$0x1] =	stream.indirect.gather [hbm4b:s5+s18], $0x100, s10, s18, $0xb8;
	[tilespmem:$0x1D000] =	vst v63  }
0xbd: {  	_ =	swait.ge [sflag:s30], $0x2000  }
0xbe: {  	[sflag:s30] =	ssyncset.done $0x0  }
0xbf: {  	s11 =	simm.s32 $0x1020;
	[sflag:s30] =	ssyncadd.s32 $0xFFFFE000  }
0xc0: {  	[spmem:s2] =	stream.indirect.scatter.add.f32 [tilespmem:s22], [sflag:$0x6], $0x100, s11, s18, $0xb8;
	[tilespmem:$0x1D000] =	vst v63  }
0xc1: {  	_ =	swait.ge [sflag:s31], $0x2000  }
0xc2: {  	[sflag:s31] =	ssyncset.done $0x0  }
0xc3: {  	s10 =	simm.s32 $0x30A0;
	[sflag:s31] =	ssyncadd.s32 $0xFFFFE000  }
0xc4: {  	[tilespmem:s22], [sflag:$0x2] =	stream.indirect.gather [hbm4b:s5+s18], $0x100, s10, s18, $0xb8;
	[tilespmem:$0x1D000] =	vst v63  }
0xc5: {  	_ =	swait.ge [sflag:s0], $0x2000  }
0xc6: {  	[sflag:s0] =	ssyncset.done $0x0  }
0xc7: {  	s11 =	simm.s32 $0x1040;
	[sflag:s0] =	ssyncadd.s32 $0xFFFFE000  }
0xc8: {  	[spmem:s2] =	stream.indirect.scatter.add.f32 [tilespmem:s24], [sflag:$0x7], $0x100, s11, s18, $0xb8;
	[tilespmem:$0x1D000] =	vst v63  }
0xc9: {  	_ =	swait.ge [sflag:s3], $0x2000  }
0xca: {  	[sflag:s3] =	ssyncset.done $0x0  }
0xcb: {  	s10 =	simm.s32 $0x30C0;
	[sflag:s3] =	ssyncadd.s32 $0xFFFFE000  }
0xcc: {  	[tilespmem:s24], [sflag:$0x3] =	stream.indirect.gather [hbm4b:s5+s18], $0x100, s10, s18, $0xb8;
	[tilespmem:$0x1D000] =	vst v63  }
0xcd: {  	_ =	swait.ge [sflag:s1], $0x2000  }
0xce: {  	[sflag:s1] =	ssyncset.done $0x0  }
0xcf: {  	s11 =	simm.s32 $0x1060;
	[sflag:s1] =	ssyncadd.s32 $0xFFFFE000  }
0xd0: {  	[spmem:s2] =	stream.indirect.scatter.add.f32 [tilespmem:s26], [sflag:$0x8], $0x100, s11, s18, $0xb8;
	[tilespmem:$0x1D000] =	vst v63  }
0xd1: {  	_ =	swait.ge [sflag:s14], $0x2000  }
0xd2: {  	[sflag:s14] =	ssyncset.done $0x0  }
0xd3: {  	s9 =	simm.s32 $0x200;
	s10 =	simm.s32 $0x30E0;
	[sflag:s14] =	ssyncadd.s32 $0xFFFFE000  }
.LBB2_8:
0xd4: {  	[tilespmem:s26], [sflag:$0x4] =	stream.indirect.gather [hbm4b:s5+s18], $0x100, s10, s18, $0xb8;
	[tilespmem:$0x1D000] =	vst v63  }
0xd5: {  	s10 =	smov.u32 s9  }
0xd6: {  	p0 =	sne.s32 s9, $0x3C00;
	s9 =	sadd.s32 $0x200, s9;
	_ =	swait.ge [sflag:s28], $0x2000  }
0xd7: {  	s10 =	sshra.s32 s10, $0x2;
	[sflag:s28] =	ssyncset.done $0x0  }
0xd8: {  	s11 =	sadd.s32 $0x1000, s10;
	[sflag:s28] =	ssyncadd.s32 $0xFFFFE000  }
0xd9: {  	[spmem:s2] =	stream.indirect.scatter.add.f32 [tilespmem:s20], [sflag:$0x5], $0x100, s11, s18, $0xb8;
	[tilespmem:$0x1D000] =	vst v63  }
0xda: {  	_ =	swait.ge [sflag:s29], $0x2000  }
0xdb: {  	[sflag:s29] =	ssyncset.done $0x0  }
0xdc: {  	s11 =	sadd.s32 $0x3080, s10;
	[sflag:s29] =	ssyncadd.s32 $0xFFFFE000  }
0xdd: {  	[tilespmem:s20], [sflag:$0x1] =	stream.indirect.gather [hbm4b:s5+s18], $0x100, s11, s18, $0xb8;
	[tilespmem:$0x1D000] =	vst v63  }
0xde: {  	_ =	swait.ge [sflag:s30], $0x2000  }
0xdf: {  	[sflag:s30] =	ssyncset.done $0x0  }
0xe0: {  	s11 =	sadd.s32 $0x1020, s10;
	[sflag:s30] =	ssyncadd.s32 $0xFFFFE000  }
0xe1: {  	[spmem:s2] =	stream.indirect.scatter.add.f32 [tilespmem:s22], [sflag:$0x6], $0x100, s11, s18, $0xb8;
	[tilespmem:$0x1D000] =	vst v63  }
0xe2: {  	_ =	swait.ge [sflag:s31], $0x2000  }
0xe3: {  	[sflag:s31] =	ssyncset.done $0x0  }
0xe4: {  	s11 =	sadd.s32 $0x30A0, s10;
	[sflag:s31] =	ssyncadd.s32 $0xFFFFE000  }
0xe5: {  	[tilespmem:s22], [sflag:$0x2] =	stream.indirect.gather [hbm4b:s5+s18], $0x100, s11, s18, $0xb8;
	[tilespmem:$0x1D000] =	vst v63  }
0xe6: {  	_ =	swait.ge [sflag:s0], $0x2000  }
0xe7: {  	[sflag:s0] =	ssyncset.done $0x0  }
0xe8: {  	s11 =	sadd.s32 $0x1040, s10;
	[sflag:s0] =	ssyncadd.s32 $0xFFFFE000  }
0xe9: {  	[spmem:s2] =	stream.indirect.scatter.add.f32 [tilespmem:s24], [sflag:$0x7], $0x100, s11, s18, $0xb8;
	[tilespmem:$0x1D000] =	vst v63  }
0xea: {  	_ =	swait.ge [sflag:s3], $0x2000  }
0xeb: {  	[sflag:s3] =	ssyncset.done $0x0  }
0xec: {  	s11 =	sadd.s32 $0x30C0, s10;
	[sflag:s3] =	ssyncadd.s32 $0xFFFFE000  }
0xed: {  	[tilespmem:s24], [sflag:$0x3] =	stream.indirect.gather [hbm4b:s5+s18], $0x100, s11, s18, $0xb8;
	[tilespmem:$0x1D000] =	vst v63  }
0xee: {  	_ =	swait.ge [sflag:s1], $0x2000  }
0xef: {  	[sflag:s1] =	ssyncset.done $0x0  }
.Ltmp3:
0xf0: {  	s11 =	sadd.s32 $0x1060, s10;
	[sflag:s1] =	ssyncadd.s32 $0xFFFFE000;
	(pc) =	sbr.rel @p0 .LBB2_8-.Ltmp3, $4  }
0xf1: {  	[spmem:s2] =	stream.indirect.scatter.add.f32 [tilespmem:s26], [sflag:$0x8], $0x100, s11, s18, $0xb8;
	[tilespmem:$0x1D000] =	vst v63  }
0xf2: {  	_ =	swait.ge [sflag:s14], $0x2000  }
0xf3: {  	[sflag:s14] =	ssyncset.done $0x0  }
0xf4: {  	s10 =	sadd.s32 $0x30E0, s10;
	[sflag:s14] =	ssyncadd.s32 $0xFFFFE000  }
0xf5: {  	[tilespmem:s26], [sflag:$0x4] =	stream.indirect.gather [hbm4b:s5+s18], $0x100, s10, s18, $0xb8;
	[tilespmem:$0x1D000] =	vst v63  }
0xf6: {  	_ =	swait.ge [sflag:s28], $0x2000  }
0xf7: {  	[sflag:s28] =	ssyncset.done $0x0  }
0xf8: {  	[sflag:s28] =	ssyncadd.s32 $0xFFFFE000  }
0xf9: {  	[spmem:s2] =	stream.indirect.scatter.add.f32 [tilespmem:s20], [sflag:$0x5], $0x100, s19, s18, $0xb8;
	[tilespmem:$0x1D000] =	vst v63  }
0xfa: {  	_ =	swait.ge [sflag:s30], $0x2000  }
0xfb: {  	[sflag:s30] =	ssyncset.done $0x0  }
0xfc: {  	[sflag:s30] =	ssyncadd.s32 $0xFFFFE000  }
0xfd: {  	[spmem:s2] =	stream.indirect.scatter.add.f32 [tilespmem:s22], [sflag:$0x6], $0x100, s21, s18, $0xb8;
	[tilespmem:$0x1D000] =	vst v63  }
0xfe: {  	_ =	swait.ge [sflag:s0], $0x2000  }
0xff: {  	[sflag:s0] =	ssyncset.done $0x0  }
0x100: {  	[sflag:s0] =	ssyncadd.s32 $0xFFFFE000  }
0x101: {  	[spmem:s2] =	stream.indirect.scatter.add.f32 [tilespmem:s24], [sflag:$0x7], $0x100, s23, s18, $0xb8;
	[tilespmem:$0x1D000] =	vst v63  }
0x102: {  	_ =	swait.ge [sflag:s1], $0x2000  }
0x103: {  	[sflag:s1] =	ssyncset.done $0x0  }
0x104: {  	[sflag:s1] =	ssyncadd.s32 $0xFFFFE000  }
0x105: {  	[spmem:s2] =	stream.indirect.scatter.add.f32 [tilespmem:s26], [sflag:$0x8], $0x100, s25, s18, $0xb8;
	[tilespmem:$0x1D000] =	vst v63  }
0x106: {  	_ =	swait.ge [sflag:s29], $0x2000  }
0x107: {  	[sflag:s29] =	ssyncset.done $0x0  }
0x108: {  	[sflag:s29] =	ssyncadd.s32 $0xFFFFE000  }
0x109: {  	_ =	swait.ge [sflag:s31], $0x2000  }
0x10a: {  	[sflag:s31] =	ssyncset.done $0x0  }
0x10b: {  	[sflag:s31] =	ssyncadd.s32 $0xFFFFE000  }
0x10c: {  	_ =	swait.ge [sflag:s3], $0x2000  }
0x10d: {  	[sflag:s3] =	ssyncset.done $0x0  }
0x10e: {  	[sflag:s3] =	ssyncadd.s32 $0xFFFFE000  }
0x10f: {  	_ =	swait.ge [sflag:s14], $0x2000  }
0x110: {  	[sflag:s14] =	ssyncset.done $0x0  }
0x111: {  	[sflag:s14] =	ssyncadd.s32 $0xFFFFE000  }
0x112: {  	[bflag:$0x0] =	sbarrier.arrive $0xFFFF  }
0x113: {  	[hbm:s12], [sflag:s16] =	dma.local [spmem:s17], $0x2000  }
0x114: {  	_ =	swait.ge [sflag:s13], $0x2000  }
0x115: {  	[sflag:s13] =	ssyncset.done $0x0  }
0x116: {  	[sflag:s13] =	ssyncadd.s32 $0xFFFFE000  }
0x117: {  	[bflag:$0x0] =	sbarrier.arrive $0xFFFF  }
0x118: {  	s9 =	rddreg [dreg:$0x5]  }
0x119: {  	[hbm4b:s9+s4] =	stream.linear.scatter [tilespmem:s15], [sflag:$0x9], $0x1000, $0x38;
	[tilespmem:$0x1D000] =	vst v63  }
0x11a: {  	_ =	swait.ge [sflag:s13], $0x1000  }
0x11b: {  	s7 =	sadd.s32 $0x1, s7;
	s11 =	rddreg [dreg:$0x6]  }
0x11c: {  	p0 =	sne.s32 s7, s11  }
.Ltmp4:
0x11d: {  	_ = 	snop;
	(pc) =	sbr.rel @p0 .LBB2_1-.Ltmp4, $3  }
0x11e: {  	_ =	sdelay $0x1  }
0x11f: {  	[sflag:s13] =	ssyncset.done $0x0  }
0x120: {  	[sflag:s13] =	ssyncadd.s32 $0xFFFFF000  }
0x121: {  	_ =	sfence.sel $0x180000  }
0x122: {  	[bflag:$0x0] =	sbarrier.arrive $0xFFFF  }
0x123: {  	_ =	strace $0x90000047  }
0x124: {  	s0 =	stileid.u32;
	[bflag:$0x2] =	sbarrier.arrive $0xFFFF  }
0x125: {  	p0 =	sne.s32 s0, $0x0;
	s0 =	rddreg [dreg:$0x3]  }
0x126: {  	s0 =	sadd.s32 @!p0 $0x100000, s0  }
0x127: {  	[sflag:s0] =	ssyncadd.tile.s32 @!p0 $0x1;
	_ =	shalt  }
.Lfunc_end2:
_tile_overlayer_lowered:
.L_overlay_start_2:
0x128: {  	(tag) =	ssettag $0x2  }
0x129: {  	s0 =	rddreg [dreg:$0x0];
	s2 =	stileid.u32  }
0x12a: {  	s1 =	rddreg [dreg:$0x1];
	p0 =	sne.s32 s2, $0x0  }
0x12b: {  	s3 =	rddreg [dreg:$0x2];
	[bflag:$0x3] =	sbarrier.arrive $0xFFFF;
	s2 =	simm.s32 @!p0 $0x1C09  }
0x12c: {  	[timem:s3], [sflag:s2] =	dma.local @!p0 [hbm:s0], s1  }
0x12d: {  	s0 =	simm.s32 @!p0 $0x9  }
0x12e: {  	_ =	swait.ge @!p0 [sflag:s0], s1  }
0x12f: {  	s1 =	ssub.s32 @!p0 $0x0, s1;
	[sflag:s0] =	ssyncset.done @!p0 $0x0  }
0x130: {  	[sflag:s0] =	ssyncadd.s32 @!p0 s1  }
0x131: {  	[bflag:$0x3] =	sbarrier.arrive $0xFFFF  }
0x132: {  	_ =	shalt  }

</sc_bundles>
